<compile_context>
chip_gen: v7x
topology: tpu7x:2x2x1
jax: 0.10.2.dev20260603
libtpu: 0.0.44.dev20260713+nightly
codegen_flags: <defaults>
</compile_context>

<pallas_src>
import dataclasses

import jax
import jax.numpy as jnp
from jax.experimental import pallas as pl
from jax.experimental.pallas import tpu as pltpu
from jax.experimental.pallas import tpu_sc as plsc

N_BLK = 1024
K_PAD = 8
LANES = 128
SUBS = 8

SC_SUBCORES = 32
SC_LANES = 16



def _chamfer_body(p1_ref, p2t_ref, p1b_ref, p2tb_ref,
                  d1_ref, i1_ref, d2_ref, i2_ref):
    n = pl.program_id(1)
    n_blk = d1_ref.shape[1]
    m = p2t_ref.shape[2]
    big = jnp.float32(4 * 1024 * 1024)

    p1 = p1_ref[0]
    p2t = p2t_ref[0]
    a_x = p1[:, 0:1]
    a_y = p1[:, 1:2]
    a_z = p1[:, 2:3]
    b_x = p2t[0:1, :]
    b_y = p2t[1:2, :]
    b_z = p2t[2:3, :]

    neg2cross = jax.lax.dot_general(
        p1b_ref[0], p2tb_ref[0],
        dimension_numbers=(((1,), (0,)), ((), ())),
        preferred_element_type=jnp.float32,
    )
    x1sq = a_x * a_x + a_y * a_y + a_z * a_z
    x2sq = b_x * b_x + b_y * b_y + b_z * b_z
    d = (x1sq + x2sq) + neg2cross

    curv = d[:, 0:LANES]
    curj = jnp.zeros((n_blk, LANES), jnp.float32)
    for j in range(1, m // LANES):
        blk = d[:, j * LANES:(j + 1) * LANES]
        mask = blk < curv
        curv = jnp.where(mask, blk, curv)
        curj = jnp.where(mask, jnp.float32(j), curj)
    dmin = jnp.min(curv, axis=1, keepdims=True)
    lane = jax.lax.broadcasted_iota(
        jnp.int32, (n_blk, LANES), 1).astype(jnp.float32)
    mfull = curj * jnp.float32(LANES) + lane
    cand = jnp.where(curv == dmin, mfull, big)
    imin = jnp.min(cand, axis=1, keepdims=True)
    d1_ref[0] = dmin
    i1_ref[0] = imin.astype(jnp.int32)

    cv = d[0:SUBS, :]
    cr = jnp.zeros((SUBS, m), jnp.float32)
    for r in range(1, n_blk // SUBS):
        blk = d[r * SUBS:(r + 1) * SUBS, :]
        mask = blk < cv
        cv = jnp.where(mask, blk, cv)
        cr = jnp.where(mask, jnp.float32(r), cr)
    sub = jax.lax.broadcasted_iota(
        jnp.int32, (SUBS, m), 0).astype(jnp.float32)
    nfull = cr * jnp.float32(SUBS) + sub
    for shift in (4, 2, 1):
        rv = pltpu.roll(cv, shift, 0)
        rn = pltpu.roll(nfull, shift, 0)
        lt = rv < cv
        eq = rv == cv
        nfull = jnp.where(lt, rn, jnp.where(eq, jnp.minimum(nfull, rn), nfull))
        cv = jnp.where(lt, rv, cv)
    cmin = cv[0:1, :]
    cidx = nfull[0:1, :] + jnp.float32(n_blk) * n.astype(jnp.float32)

    @pl.when(n == 0)
    def _():
        d2_ref[0] = cmin
        i2_ref[0] = cidx.astype(jnp.int32)

    @pl.when(n != 0)
    def _():
        prev_d = d2_ref[0]
        take_new = cmin < prev_d
        d2_ref[0] = jnp.where(take_new, cmin, prev_d)
        i2_ref[0] = jnp.where(take_new, cidx.astype(jnp.int32), i2_ref[0])


def _tc_chamfer(points1, points2, p2t):
    B, N, D = points1.shape
    M = points2.shape[1]
    pad = [(0, 0), (0, 0), (0, K_PAD - D)]
    p1b = jnp.pad((-2.0 * points1).astype(jnp.bfloat16), pad)
    p2tb = jnp.pad(p2t.astype(jnp.bfloat16),
                   [(0, 0), (0, K_PAD - D), (0, 0)])

    return pl.pallas_call(
        _chamfer_body,
        grid=(B, N // N_BLK),
        in_specs=[
            pl.BlockSpec((1, N_BLK, D), lambda b, n: (b, n, 0)),
            pl.BlockSpec((1, D, M), lambda b, n: (b, 0, 0)),
            pl.BlockSpec((1, N_BLK, K_PAD), lambda b, n: (b, n, 0)),
            pl.BlockSpec((1, K_PAD, M), lambda b, n: (b, 0, 0)),
        ],
        out_specs=[
            pl.BlockSpec((1, N_BLK, 1), lambda b, n: (b, n, 0)),
            pl.BlockSpec((1, N_BLK, 1), lambda b, n: (b, n, 0)),
            pl.BlockSpec((1, 1, M), lambda b, n: (b, 0, 0)),
            pl.BlockSpec((1, 1, M), lambda b, n: (b, 0, 0)),
        ],
        out_shape=[
            jax.ShapeDtypeStruct((B, N, 1), jnp.float32),
            jax.ShapeDtypeStruct((B, N, 1), jnp.int32),
            jax.ShapeDtypeStruct((B, 1, M), jnp.float32),
            jax.ShapeDtypeStruct((B, 1, M), jnp.int32),
        ],
    )(points1, p2t, p1b, p2tb)



def _rbf16_bits(v):
    i = jax.lax.bitcast_convert_type(v, jnp.int32)
    r = (i + jnp.int32(0x7FFF) + ((i >> 16) & 1)) & jnp.int32(-65536)
    return jax.lax.bitcast_convert_type(r, jnp.float32)


def _sc_chamfer(rp1, x1sq, rp2, x2sq):
    M = rp1.shape[1]
    rows_per_sub = M // SC_SUBCORES
    n_chunks = M // SC_LANES
    groups = rows_per_sub // SC_LANES
    big = jnp.float32(4 * 1024 * 1024)

    mesh = plsc.VectorSubcoreMesh(core_axis_name="c", subcore_axis_name="s")
    cp = pltpu.CompilerParams()
    if "needs_layout_passes" in pltpu.CompilerParams.__dataclass_fields__:
        cp = dataclasses.replace(cp, needs_layout_passes=False)

    @pl.kernel(
        compiler_params=cp,
        out_type=[
            jax.ShapeDtypeStruct((M,), jnp.float32),
            jax.ShapeDtypeStruct((M,), jnp.float32),
            jax.ShapeDtypeStruct((SC_SUBCORES, M), jnp.float32),
            jax.ShapeDtypeStruct((SC_SUBCORES, M), jnp.float32),
        ],
        mesh=mesh,
        scratch_types=[
            pltpu.VMEM((3, M), jnp.float32),
            pltpu.VMEM((M,), jnp.float32),
            pltpu.VMEM((3, M), jnp.float32),
            pltpu.VMEM((M,), jnp.float32),
            pltpu.VMEM((M,), jnp.float32),
            pltpu.VMEM((M,), jnp.float32),
            pltpu.VMEM((rows_per_sub,), jnp.float32),
            pltpu.VMEM((rows_per_sub,), jnp.float32),
        ],
    )
    def sc_kernel(rp1_hbm, x1_hbm, rp2_hbm, x2_hbm,
                  d1_hbm, i1_hbm, cm_hbm, ci_hbm,
                  rp1v, x1v, rp2v, x2v, cmv, civ, d1b, i1b):
        sg = jax.lax.axis_index("c") * 16 + jax.lax.axis_index("s")

        pltpu.sync_copy(rp1_hbm, rp1v)
        pltpu.sync_copy(x1_hbm, x1v)
        pltpu.sync_copy(rp2_hbm, rp2v)
        pltpu.sync_copy(x2_hbm, x2v)

        lane_i = jax.lax.broadcasted_iota(jnp.int32, (SC_LANES,), 0)
        lane_f = lane_i.astype(jnp.float32)
        zeros_i = jnp.zeros((SC_LANES,), jnp.int32)
        ones_i = jnp.ones((SC_LANES,), jnp.int32)
        big_v = jnp.full((SC_LANES,), big, jnp.float32)

        @pl.loop(0, n_chunks)
        def _(c):
            sl = pl.ds(c * SC_LANES, SC_LANES)
            cmv[sl] = big_v
            civ[sl] = jnp.zeros((SC_LANES,), jnp.float32)

        @pl.loop(0, groups)
        def _(g):
            def row_step(k, gcarry):
                dminv, iminv = gcarry
                row = (sg * rows_per_sub + g * SC_LANES) + k
                rsplat = jnp.full((SC_LANES,), row, jnp.int32)
                axs = plsc.load_gather(rp1v, [zeros_i, rsplat])
                ays = plsc.load_gather(rp1v, [ones_i, rsplat])
                azs = plsc.load_gather(rp1v, [ones_i + ones_i, rsplat])
                x1s = plsc.load_gather(x1v, [rsplat])
                nfs = rsplat.astype(jnp.float32)

                def chunk(c, carry):
                    curv, curj = carry
                    sl = pl.ds(c * SC_LANES, SC_LANES)
                    t = (axs * rp2v[0, sl] + ays * rp2v[1, sl]) \
                        + azs * rp2v[2, sl]
                    dd = (x1s + x2v[sl]) + t
                    m1 = dd < curv
                    curv = jnp.where(m1, dd, curv)
                    jf = jnp.full((SC_LANES,), c.astype(jnp.float32),
                                  jnp.float32)
                    curj = jnp.where(m1, jf, curj)
                    cm = cmv[sl]
                    m2 = dd < cm
                    cmv[sl] = jnp.where(m2, dd, cm)
                    civ[sl] = jnp.where(m2, nfs, civ[sl])
                    return curv, curj

                init = (big_v, jnp.zeros((SC_LANES,), jnp.float32))
                curv, curj = jax.lax.fori_loop(0, n_chunks, chunk, init)

                dmin = jnp.min(curv)
                dms = jnp.full((SC_LANES,), dmin, jnp.float32)
                mf = curj * jnp.float32(SC_LANES) + lane_f
                cand = jnp.where(curv == dms, mf, big_v)
                imin = jnp.min(cand)
                here = lane_i == jnp.full((SC_LANES,), k, jnp.int32)
                dminv = jnp.where(here, dms, dminv)
                iminv = jnp.where(
                    here, jnp.full((SC_LANES,), imin, jnp.float32), iminv)
                return dminv, iminv

            ginit = (big_v, big_v)
            dminv, iminv = jax.lax.fori_loop(0, SC_LANES, row_step, ginit)
            gsl = pl.ds(g * SC_LANES, SC_LANES)
            d1b[gsl] = dminv
            i1b[gsl] = iminv

        out_sl = pl.ds(sg * rows_per_sub, rows_per_sub)
        pltpu.sync_copy(d1b, d1_hbm.at[out_sl])
        pltpu.sync_copy(i1b, i1_hbm.at[out_sl])
        pltpu.sync_copy(cmv, cm_hbm.at[sg])
        pltpu.sync_copy(civ, ci_hbm.at[sg])

    return sc_kernel(rp1, x1sq, rp2, x2sq)



def _merge_body(cm_ref, ci_ref, d2_ref, i2_ref):
    cv = cm_ref[0, 0:SUBS, :]
    ni = ci_ref[0, 0:SUBS, :]
    for r in range(1, SC_SUBCORES // SUBS):
        bv = cm_ref[0, r * SUBS:(r + 1) * SUBS, :]
        bi = ci_ref[0, r * SUBS:(r + 1) * SUBS, :]
        mask = bv < cv
        cv = jnp.where(mask, bv, cv)
        ni = jnp.where(mask, bi, ni)
    for shift in (4, 2, 1):
        rv = pltpu.roll(cv, shift, 0)
        rn = pltpu.roll(ni, shift, 0)
        lt = rv < cv
        eq = rv == cv
        ni = jnp.where(lt, rn, jnp.where(eq, jnp.minimum(ni, rn), ni))
        cv = jnp.where(lt, rv, cv)
    d2_ref[0] = cv[0:1, :]
    i2_ref[0] = ni[0:1, :].astype(jnp.int32)


def _merge_cols(cm, ci):
    M = cm.shape[1]
    d2, i2 = pl.pallas_call(
        _merge_body,
        in_specs=[
            pl.BlockSpec((1, SC_SUBCORES, M), lambda: (0, 0, 0)),
            pl.BlockSpec((1, SC_SUBCORES, M), lambda: (0, 0, 0)),
        ],
        out_specs=[
            pl.BlockSpec((1, 1, M), lambda: (0, 0, 0)),
            pl.BlockSpec((1, 1, M), lambda: (0, 0, 0)),
        ],
        out_shape=[
            jax.ShapeDtypeStruct((1, 1, M), jnp.float32),
            jax.ShapeDtypeStruct((1, 1, M), jnp.int32),
        ],
    )(cm.reshape(1, SC_SUBCORES, M), ci.reshape(1, SC_SUBCORES, M))
    return d2[0, 0], i2[0, 0]


def kernel(points1, points2):
    B, N, D = points1.shape
    M = points2.shape[1]
    p2t = points2.transpose(0, 2, 1)
    p1t = points1.transpose(0, 2, 1)

    b_tc = B - 1
    d1_tc, i1_tc, d2_tc, i2_tc = _tc_chamfer(
        points1[:b_tc], points2[:b_tc], p2t[:b_tc])

    p1l = p1t[b_tc]
    p2l = p2t[b_tc]
    rp1 = _rbf16_bits(-2.0 * p1l)
    rp2 = _rbf16_bits(p2l)
    x1sq = (p1l[0] * p1l[0] + p1l[1] * p1l[1]) + p1l[2] * p1l[2]
    x2sq = (p2l[0] * p2l[0] + p2l[1] * p2l[1]) + p2l[2] * p2l[2]
    d1s, i1sf, cmall, ciall = _sc_chamfer(rp1, x1sq, rp2, x2sq)
    d2s, i2s = _merge_cols(cmall, ciall)

    idx1 = jnp.concatenate(
        [i1_tc[..., 0], i1sf.astype(jnp.int32)[None]], axis=0)
    idx2 = jnp.concatenate([i2_tc[:, 0, :], i2s[None]], axis=0)
    dist1 = jnp.concatenate([d1_tc[..., 0], d1s[None]], axis=0)
    dist2 = jnp.concatenate([d2_tc[:, 0, :], d2s[None]], axis=0)
    return (idx1, idx2, dist1, dist2)

# --- scband reference (transcript-rebuilt; emitter-appended) ---
"""Pipeline reference for scband-chamfer-9749575762307 (READ-ONLY COPY).

The authoritative reference and input builder live on the scoring server;
editing this copy changes nothing except your own understanding.
"""

import jax, jax.numpy as jnp
import numpy as np


def setup_inputs(seed: int = 0) -> dict:
    key = jax.random.key(seed)
    k1, k2 = jax.random.split(key)
    points1 = jax.random.normal(k1, (8, 2048, 3), dtype=jnp.float32)
    points2 = jax.random.normal(k2, (8, 2048, 3), dtype=jnp.float32)
    return {"points1": points1, "points2": points2}


def _pairwise_sqdist(p1, p2):
    # ||a-b||^2 = ||a||^2 + ||b||^2 - 2 a.b  (avoids [B,N,M,3] intermediate)
    x1sq = jnp.sum(p1 * p1, axis=-1)  # [B, N]
    x2sq = jnp.sum(p2 * p2, axis=-1)  # [B, M]
    cross = jnp.einsum('bnd,bmd->bnm', p1, p2)  # [B, N, M]
    return x1sq[:, :, None] + x2sq[:, None, :] - 2.0 * cross


def reference(points1, points2):
    d = _pairwise_sqdist(points1, points2)  # [B, N, M] squared distances
    dist1 = jnp.min(d, axis=2)              # [B, N] nearest in points2 for each point in points1
    idx1 = jnp.argmin(d, axis=2).astype(jnp.int32)
    dist2 = jnp.min(d, axis=1)              # [B, M] nearest in points1 for each point in points2
    idx2 = jnp.argmin(d, axis=1).astype(jnp.int32)
    return (idx1, idx2, dist1, dist2)

if __name__ == "__main__":
    import jax
    _d = setup_inputs()
    print(jax.jit(kernel)(*tuple(_d.values())))

</pallas_src>

<mosaic_0001>
#map = affine_map<(d0, d1) -> (0, 0)>
#map1 = affine_map<(d0, d1) -> (0)>
module attributes {stable_mosaic.version = 14 : i64} {
  func.func @_rewritten_body(%arg0: i32, %arg1: i32, %arg2: memref<3x2048xf32, #tpu.memory_space<hbm>>, %arg3: memref<2048xf32, #tpu.memory_space<hbm>>, %arg4: memref<3x2048xf32, #tpu.memory_space<hbm>>, %arg5: memref<2048xf32, #tpu.memory_space<hbm>>, %arg6: memref<1xf32, #tpu.memory_space<hbm>>, %arg7: memref<2048xf32, #tpu.memory_space<hbm>>, %arg8: memref<2048xf32, #tpu.memory_space<hbm>>, %arg9: memref<32x2048xf32, #tpu.memory_space<hbm>>, %arg10: memref<32x2048xf32, #tpu.memory_space<hbm>>, %arg11: memref<3x2048xf32, #tpu.memory_space<vmem>>, %arg12: memref<2048xf32, #tpu.memory_space<vmem>>, %arg13: memref<3x2048xf32, #tpu.memory_space<vmem>>, %arg14: memref<2048xf32, #tpu.memory_space<vmem>>, %arg15: memref<2048xf32, #tpu.memory_space<vmem>>, %arg16: memref<2048xf32, #tpu.memory_space<vmem>>, %arg17: memref<64xf32, #tpu.memory_space<vmem>>, %arg18: memref<64xf32, #tpu.memory_space<vmem>>) attributes {dimension_semantics = [#tpu.dimension_semantics<core_parallel>, #tpu.dimension_semantics<subcore_parallel>], iteration_bounds = array<i64: 2, 16>, scalar_prefetch = 0 : i64, scratch_operands = 8 : i64, tpu.core_type = #tpu.core_type<sc_vector_subcore>, window_params = [{transform_indices = #map}, {transform_indices = #map1}, {transform_indices = #map}, {transform_indices = #map1}, {transform_indices = #map1}, {transform_indices = #map1}, {transform_indices = #map1}, {transform_indices = #map}, {transform_indices = #map}]} {
    %empty_ref3A = memref.alloca() : memref<16xf32, #tpu.memory_space<vmem>>
    "tpu.region"() ({
      %run_scoped3A = tpu.sem_alloc : memref<!tpu.dma_semaphore, #tpu.memory_space<semaphore_mem>>
      %dma_start3A = arith.constant 0 : i32
      %dma_start3A_17 = tpu.memref_slice %empty_ref3A[%dma_start3A] : memref<16xf32, #tpu.memory_space<vmem>> -> memref<1xf32, #tpu.memory_space<vmem>>
      %dma_start3A_18 = arith.constant 0 : i32
      %dma_start3A_19 = tpu.memref_slice %empty_ref3A[%dma_start3A_18] : memref<16xf32, #tpu.memory_space<vmem>> -> memref<1xf32, #tpu.memory_space<vmem>>
      tpu.enqueue_dma source(%arg6 : memref<1xf32, #tpu.memory_space<hbm>>) target(%dma_start3A_19 : memref<1xf32, #tpu.memory_space<vmem>>) target_semaphore(%run_scoped3A : memref<!tpu.dma_semaphore, #tpu.memory_space<semaphore_mem>>)
      %dma_wait3A = arith.constant 0 : i32
      %dma_wait3A_20 = tpu.memref_slice %empty_ref3A[%dma_wait3A] : memref<16xf32, #tpu.memory_space<vmem>> -> memref<1xf32, #tpu.memory_space<vmem>>
      %dma_wait3A_21 = arith.constant 0 : i32
      %dma_wait3A_22 = tpu.memref_slice %empty_ref3A[%dma_wait3A_21] : memref<16xf32, #tpu.memory_space<vmem>> -> memref<1xf32, #tpu.memory_space<vmem>>
      tpu.wait_dma2 semaphore(%run_scoped3A : memref<!tpu.dma_semaphore, #tpu.memory_space<semaphore_mem>>) src(%arg6 : memref<1xf32, #tpu.memory_space<hbm>>) dst(%dma_wait3A_22 : memref<1xf32, #tpu.memory_space<vmem>>)
      tpu.yield
    }) : () -> ()
    %get3A = arith.constant 0 : index
    %get3A_0 = tpu.vector_load %empty_ref3A[%get3A] {strides = array<i32>} : memref<16xf32, #tpu.memory_space<vmem>>, vector<16xf32>,
    %slice3A = vector.extract_strided_slice %get3A_0 {offsets = [0], sizes = [1], strides = [1]} : vector<16xf32> to vector<1xf32>
    %squeeze3A = vector.extract %slice3A[0] : f32 from vector<1xf32>
    %mul3A = arith.constant 16 : i32
    %mul3A_1 = arith.muli %arg0, %mul3A : i32
    %add3A = arith.addi %mul3A_1, %arg1 : i32
    "tpu.region"() ({
      %run_scoped3A = tpu.sem_alloc : memref<!tpu.dma_semaphore, #tpu.memory_space<semaphore_mem>>
      tpu.enqueue_dma source(%arg2 : memref<3x2048xf32, #tpu.memory_space<hbm>>) target(%arg11 : memref<3x2048xf32, #tpu.memory_space<vmem>>) target_semaphore(%run_scoped3A : memref<!tpu.dma_semaphore, #tpu.memory_space<semaphore_mem>>)
      tpu.wait_dma2 semaphore(%run_scoped3A : memref<!tpu.dma_semaphore, #tpu.memory_space<semaphore_mem>>) src(%arg2 : memref<3x2048xf32, #tpu.memory_space<hbm>>) dst(%arg11 : memref<3x2048xf32, #tpu.memory_space<vmem>>)
      tpu.yield
    }) : () -> ()
    "tpu.region"() ({
      %run_scoped3A = tpu.sem_alloc : memref<!tpu.dma_semaphore, #tpu.memory_space<semaphore_mem>>
      tpu.enqueue_dma source(%arg3 : memref<2048xf32, #tpu.memory_space<hbm>>) target(%arg12 : memref<2048xf32, #tpu.memory_space<vmem>>) target_semaphore(%run_scoped3A : memref<!tpu.dma_semaphore, #tpu.memory_space<semaphore_mem>>)
      tpu.wait_dma2 semaphore(%run_scoped3A : memref<!tpu.dma_semaphore, #tpu.memory_space<semaphore_mem>>) src(%arg3 : memref<2048xf32, #tpu.memory_space<hbm>>) dst(%arg12 : memref<2048xf32, #tpu.memory_space<vmem>>)
      tpu.yield
    }) : () -> ()
    "tpu.region"() ({
      %run_scoped3A = tpu.sem_alloc : memref<!tpu.dma_semaphore, #tpu.memory_space<semaphore_mem>>
      tpu.enqueue_dma source(%arg4 : memref<3x2048xf32, #tpu.memory_space<hbm>>) target(%arg13 : memref<3x2048xf32, #tpu.memory_space<vmem>>) target_semaphore(%run_scoped3A : memref<!tpu.dma_semaphore, #tpu.memory_space<semaphore_mem>>)
      tpu.wait_dma2 semaphore(%run_scoped3A : memref<!tpu.dma_semaphore, #tpu.memory_space<semaphore_mem>>) src(%arg4 : memref<3x2048xf32, #tpu.memory_space<hbm>>) dst(%arg13 : memref<3x2048xf32, #tpu.memory_space<vmem>>)
      tpu.yield
    }) : () -> ()
    "tpu.region"() ({
      %run_scoped3A = tpu.sem_alloc : memref<!tpu.dma_semaphore, #tpu.memory_space<semaphore_mem>>
      tpu.enqueue_dma source(%arg5 : memref<2048xf32, #tpu.memory_space<hbm>>) target(%arg14 : memref<2048xf32, #tpu.memory_space<vmem>>) target_semaphore(%run_scoped3A : memref<!tpu.dma_semaphore, #tpu.memory_space<semaphore_mem>>)
      tpu.wait_dma2 semaphore(%run_scoped3A : memref<!tpu.dma_semaphore, #tpu.memory_space<semaphore_mem>>) src(%arg5 : memref<2048xf32, #tpu.memory_space<hbm>>) dst(%arg14 : memref<2048xf32, #tpu.memory_space<vmem>>)
      tpu.yield
    }) : () -> ()
    %iota3A = tpu.iota {dimensions = array<i32: 0>} : vector<16xi32>
    %convert_element_type3A = arith.sitofp %iota3A : vector<16xi32> to vector<16xf32>
    %broadcast_in_dim3A = arith.constant 0 : i32
    %broadcast_in_dim3A_2 = vector.broadcast %broadcast_in_dim3A : i32 to vector<16xi32>
    %broadcast_in_dim3A_3 = arith.constant 1 : i32
    %broadcast_in_dim3A_4 = vector.broadcast %broadcast_in_dim3A_3 : i32 to vector<16xi32>
    %broadcast_in_dim3A_5 = vector.broadcast %squeeze3A : f32 to vector<16xf32>
    %scan3A = arith.constant 0 : i32
    %scan3A_6 = arith.constant 128 : i32
    %scan3A_7 = arith.addi %scan3A, %scan3A_6 : i32
    %scan3A_8 = arith.constant 1 : i32
    scf.for %scan3A_17 = %scan3A to %scan3A_7 step %scan3A_8  : i32 {
      %mul3A_18 = arith.constant 1 : i32
      %mul3A_19 = arith.muli %scan3A_17, %mul3A_18 : i32
      %add3A_20 = arith.constant 0 : i32
      %add3A_21 = arith.addi %add3A_20, %mul3A_19 : i32
      %mul3A_22 = arith.constant 16 : i32
      %mul3A_23 = arith.muli %add3A_21, %mul3A_22 : i32
      %swap3A = arith.index_cast %mul3A_23 : i32 to index
      %swap3A_24 = tpu.vector_load %arg15[%swap3A] {strides = array<i32>} : memref<2048xf32, #tpu.memory_space<vmem>>, vector<16xf32>,
      tpu.vector_store %arg15[%swap3A], %broadcast_in_dim3A_5 {strides = array<i32>} : memref<2048xf32, #tpu.memory_space<vmem>>, vector<16xf32>,
      %broadcast_in_dim3A_25 = arith.constant 0.000000e+00 : f32
      %broadcast_in_dim3A_26 = vector.broadcast %broadcast_in_dim3A_25 : f32 to vector<16xf32>
      %swap3A_27 = arith.index_cast %mul3A_23 : i32 to index
      %swap3A_28 = tpu.vector_load %arg16[%swap3A_27] {strides = array<i32>} : memref<2048xf32, #tpu.memory_space<vmem>>, vector<16xf32>,
      tpu.vector_store %arg16[%swap3A_27], %broadcast_in_dim3A_26 {strides = array<i32>} : memref<2048xf32, #tpu.memory_space<vmem>>, vector<16xf32>,
    }
    %scan3A_9 = arith.constant 128 : i32
    %scan3A_10 = arith.constant 0 : i32
    %scan3A_11 = arith.constant 4 : i32
    %scan3A_12 = arith.addi %scan3A_10, %scan3A_11 : i32
    %scan3A_13 = arith.constant 1 : i32
    scf.for %scan3A_17 = %scan3A_10 to %scan3A_12 step %scan3A_13  : i32 {
      %mul3A_18 = arith.constant 1 : i32
      %mul3A_19 = arith.muli %scan3A_17, %mul3A_18 : i32
      %add3A_20 = arith.constant 0 : i32
      %add3A_21 = arith.addi %add3A_20, %mul3A_19 : i32
      %scan3A_22 = arith.constant 0 : i32
      %scan3A_23 = arith.constant 16 : i32
      %scan3A_24 = arith.addi %scan3A_22, %scan3A_23 : i32
      %scan3A_25 = arith.constant 1 : i32
      %scan3A_26:2 = scf.for %scan3A_33 = %scan3A_22 to %scan3A_24 step %scan3A_25 iter_args(%scan3A_34 = %broadcast_in_dim3A_5, %scan3A_35 = %broadcast_in_dim3A_5) -> (vector<16xf32>, vector<16xf32>)  : i32 {
        %mul3A_36 = arith.constant 64 : i32
        %mul3A_37 = arith.muli %add3A, %mul3A_36 : i32
        %mul3A_38 = arith.constant 16 : i32
        %mul3A_39 = arith.muli %add3A_21, %mul3A_38 : i32
        %add3A_40 = arith.addi %mul3A_37, %mul3A_39 : i32
        %add3A_41 = arith.addi %add3A_40, %scan3A_33 : i32
        %broadcast_in_dim3A_42 = vector.broadcast %add3A_41 : i32 to vector<16xi32>
        %gather3A = tpu.vector_load_idx %arg11[%broadcast_in_dim3A_2, %broadcast_in_dim3A_42] : memref<3x2048xf32, #tpu.memory_space<vmem>>[vector<16xi32>, vector<16xi32>], vector<16xf32>,
        %gather3A_43 = tpu.vector_load_idx %arg11[%broadcast_in_dim3A_4, %broadcast_in_dim3A_42] : memref<3x2048xf32, #tpu.memory_space<vmem>>[vector<16xi32>, vector<16xi32>], vector<16xf32>,
        %add3A_44 = arith.addi %broadcast_in_dim3A_4, %broadcast_in_dim3A_4 : vector<16xi32>
        %gather3A_45 = tpu.vector_load_idx %arg11[%add3A_44, %broadcast_in_dim3A_42] : memref<3x2048xf32, #tpu.memory_space<vmem>>[vector<16xi32>, vector<16xi32>], vector<16xf32>,
        %gather3A_46 = tpu.vector_load_idx %arg12[%broadcast_in_dim3A_42] : memref<2048xf32, #tpu.memory_space<vmem>>[vector<16xi32>], vector<16xf32>,
        %convert_element_type3A_47 = arith.sitofp %broadcast_in_dim3A_42 : vector<16xi32> to vector<16xf32>
        %broadcast_in_dim3A_48 = arith.constant 0.000000e+00 : f32
        %broadcast_in_dim3A_49 = vector.broadcast %broadcast_in_dim3A_48 : f32 to vector<16xf32>
        %scan3A_50 = arith.constant 0 : i32
        %scan3A_51 = arith.constant 128 : i32
        %scan3A_52 = arith.addi %scan3A_50, %scan3A_51 : i32
        %scan3A_53 = arith.constant 1 : i32
        %scan3A_54:2 = scf.for %scan3A_73 = %scan3A_50 to %scan3A_52 step %scan3A_53 iter_args(%scan3A_74 = %broadcast_in_dim3A_5, %scan3A_75 = %broadcast_in_dim3A_49) -> (vector<16xf32>, vector<16xf32>)  : i32 {
          %mul3A_76 = arith.constant 16 : i32
          %mul3A_77 = arith.muli %scan3A_73, %mul3A_76 : i32
          %get3A_78 = arith.constant 0 : i32
          %get3A_79 = arith.index_cast %get3A_78 : i32 to index
          %get3A_80 = arith.index_cast %mul3A_77 : i32 to index
          %get3A_81 = tpu.vector_load %arg13[%get3A_79, %get3A_80] {strides = array<i32>} : memref<3x2048xf32, #tpu.memory_space<vmem>>, vector<16xf32>,
          %mul3A_82 = arith.mulf %gather3A, %get3A_81 : vector<16xf32>
          %get3A_83 = arith.constant 1 : i32
          %get3A_84 = arith.index_cast %get3A_83 : i32 to index
          %get3A_85 = arith.index_cast %mul3A_77 : i32 to index
          %get3A_86 = tpu.vector_load %arg13[%get3A_84, %get3A_85] {strides = array<i32>} : memref<3x2048xf32, #tpu.memory_space<vmem>>, vector<16xf32>,
          %mul3A_87 = arith.mulf %gather3A_43, %get3A_86 : vector<16xf32>
          %add3A_88 = arith.addf %mul3A_82, %mul3A_87 : vector<16xf32>
          %get3A_89 = arith.constant 2 : i32
          %get3A_90 = arith.index_cast %get3A_89 : i32 to index
          %get3A_91 = arith.index_cast %mul3A_77 : i32 to index
          %get3A_92 = tpu.vector_load %arg13[%get3A_90, %get3A_91] {strides = array<i32>} : memref<3x2048xf32, #tpu.memory_space<vmem>>, vector<16xf32>,
          %mul3A_93 = arith.mulf %gather3A_45, %get3A_92 : vector<16xf32>
          %add3A_94 = arith.addf %add3A_88, %mul3A_93 : vector<16xf32>
          %get3A_95 = arith.index_cast %mul3A_77 : i32 to index
          %get3A_96 = tpu.vector_load %arg14[%get3A_95] {strides = array<i32>} : memref<2048xf32, #tpu.memory_space<vmem>>, vector<16xf32>,
          %add3A_97 = arith.addf %gather3A_46, %get3A_96 : vector<16xf32>
          %add3A_98 = arith.addf %add3A_97, %add3A_94 : vector<16xf32>
          %lt3A = arith.cmpf olt, %add3A_98, %scan3A_74 : vector<16xf32>
          %select_n3A_99 = arith.select %lt3A, %add3A_98, %scan3A_74 : vector<16xi1>, vector<16xf32>
          %convert_element_type3A_100 = arith.sitofp %scan3A_73 : i32 to f32
          %broadcast_in_dim3A_101 = vector.broadcast %convert_element_type3A_100 : f32 to vector<16xf32>
          %select_n3A_102 = arith.select %lt3A, %broadcast_in_dim3A_101, %scan3A_75 : vector<16xi1>, vector<16xf32>
          %get3A_103 = arith.index_cast %mul3A_77 : i32 to index
          %get3A_104 = tpu.vector_load %arg15[%get3A_103] {strides = array<i32>} : memref<2048xf32, #tpu.memory_space<vmem>>, vector<16xf32>,
          %lt3A_105 = arith.cmpf olt, %add3A_98, %get3A_104 : vector<16xf32>
          %select_n3A_106 = arith.select %lt3A_105, %add3A_98, %get3A_104 : vector<16xi1>, vector<16xf32>
          %swap3A_107 = arith.index_cast %mul3A_77 : i32 to index
          %swap3A_108 = tpu.vector_load %arg15[%swap3A_107] {strides = array<i32>} : memref<2048xf32, #tpu.memory_space<vmem>>, vector<16xf32>,
          tpu.vector_store %arg15[%swap3A_107], %select_n3A_106 {strides = array<i32>} : memref<2048xf32, #tpu.memory_space<vmem>>, vector<16xf32>,
          %get3A_109 = arith.index_cast %mul3A_77 : i32 to index
          %get3A_110 = tpu.vector_load %arg16[%get3A_109] {strides = array<i32>} : memref<2048xf32, #tpu.memory_space<vmem>>, vector<16xf32>,
          %select_n3A_111 = arith.select %lt3A_105, %convert_element_type3A_47, %get3A_110 : vector<16xi1>, vector<16xf32>
          %swap3A_112 = arith.index_cast %mul3A_77 : i32 to index
          %swap3A_113 = tpu.vector_load %arg16[%swap3A_112] {strides = array<i32>} : memref<2048xf32, #tpu.memory_space<vmem>>, vector<16xf32>,
          tpu.vector_store %arg16[%swap3A_112], %select_n3A_111 {strides = array<i32>} : memref<2048xf32, #tpu.memory_space<vmem>>, vector<16xf32>,
          scf.yield %select_n3A_99, %select_n3A_102 : vector<16xf32>, vector<16xf32>
        }
        %scan3A_55 = arith.constant 128 : i32
        %reduce_min3A = arith.constant true
        %reduce_min3A_56 = vector.broadcast %reduce_min3A : i1 to vector<16xi1>
        %reduce_min3A_57 = tpu.scan <min>, %scan3A_54#0 masked %reduce_min3A_56 : vector<16xf32>, vector<16xi1> -> vector<16xf32>
        %reduce_min3A_58 = vector.extract %reduce_min3A_57[15] : f32 from vector<16xf32>
        %broadcast_in_dim3A_59 = vector.broadcast %reduce_min3A_58 : f32 to vector<16xf32>
        %mul3A_60 = arith.constant 1.600000e+01 : f32
        %mul3A_61 = vector.broadcast %mul3A_60 : f32 to vector<16xf32>
        %mul3A_62 = arith.mulf %scan3A_54#1, %mul3A_61 : vector<16xf32>
        %add3A_63 = arith.addf %mul3A_62, %convert_element_type3A : vector<16xf32>
        %eq3A = arith.cmpf oeq, %scan3A_54#0, %broadcast_in_dim3A_59 : vector<16xf32>
        %select_n3A = arith.select %eq3A, %add3A_63, %broadcast_in_dim3A_5 : vector<16xi1>, vector<16xf32>
        %reduce_min3A_64 = arith.constant true
        %reduce_min3A_65 = vector.broadcast %reduce_min3A_64 : i1 to vector<16xi1>
        %reduce_min3A_66 = tpu.scan <min>, %select_n3A masked %reduce_min3A_65 : vector<16xf32>, vector<16xi1> -> vector<16xf32>
        %reduce_min3A_67 = vector.extract %reduce_min3A_66[15] : f32 from vector<16xf32>
        %broadcast_in_dim3A_68 = vector.broadcast %scan3A_33 : i32 to vector<16xi32>
        %eq3A_69 = arith.cmpi eq, %iota3A, %broadcast_in_dim3A_68 : vector<16xi32>
        %select_n3A_70 = arith.select %eq3A_69, %broadcast_in_dim3A_59, %scan3A_34 : vector<16xi1>, vector<16xf32>
        %broadcast_in_dim3A_71 = vector.broadcast %reduce_min3A_67 : f32 to vector<16xf32>
        %select_n3A_72 = arith.select %eq3A_69, %broadcast_in_dim3A_71, %scan3A_35 : vector<16xi1>, vector<16xf32>
        scf.yield %select_n3A_70, %select_n3A_72 : vector<16xf32>, vector<16xf32>
      }
      %scan3A_27 = arith.constant 16 : i32
      %mul3A_28 = arith.constant 16 : i32
      %mul3A_29 = arith.muli %add3A_21, %mul3A_28 : i32
      %swap3A = arith.index_cast %mul3A_29 : i32 to index
      %swap3A_30 = tpu.vector_load %arg17[%swap3A] {strides = array<i32>} : memref<64xf32, #tpu.memory_space<vmem>>, vector<16xf32>,
      tpu.vector_store %arg17[%swap3A], %scan3A_26#0 {strides = array<i32>} : memref<64xf32, #tpu.memory_space<vmem>>, vector<16xf32>,
      %swap3A_31 = arith.index_cast %mul3A_29 : i32 to index
      %swap3A_32 = tpu.vector_load %arg18[%swap3A_31] {strides = array<i32>} : memref<64xf32, #tpu.memory_space<vmem>>, vector<16xf32>,
      tpu.vector_store %arg18[%swap3A_31], %scan3A_26#1 {strides = array<i32>} : memref<64xf32, #tpu.memory_space<vmem>>, vector<16xf32>,
    }
    %scan3A_14 = arith.constant 4 : i32
    %mul3A_15 = arith.constant 64 : i32
    %mul3A_16 = arith.muli %add3A, %mul3A_15 : i32
    "tpu.region"() ({
      %run_scoped3A = tpu.sem_alloc : memref<!tpu.dma_semaphore, #tpu.memory_space<semaphore_mem>>
      %dma_start3A = tpu.memref_slice %arg7[%mul3A_16] : memref<2048xf32, #tpu.memory_space<hbm>> -> memref<64xf32, #tpu.memory_space<hbm>>
      %dma_start3A_17 = tpu.memref_slice %arg7[%mul3A_16] : memref<2048xf32, #tpu.memory_space<hbm>> -> memref<64xf32, #tpu.memory_space<hbm>>
      tpu.enqueue_dma source(%arg17 : memref<64xf32, #tpu.memory_space<vmem>>) target(%dma_start3A_17 : memref<64xf32, #tpu.memory_space<hbm>>) target_semaphore(%run_scoped3A : memref<!tpu.dma_semaphore, #tpu.memory_space<semaphore_mem>>)
      %dma_wait3A = tpu.memref_slice %arg7[%mul3A_16] : memref<2048xf32, #tpu.memory_space<hbm>> -> memref<64xf32, #tpu.memory_space<hbm>>
      %dma_wait3A_18 = tpu.memref_slice %arg7[%mul3A_16] : memref<2048xf32, #tpu.memory_space<hbm>> -> memref<64xf32, #tpu.memory_space<hbm>>
      tpu.wait_dma2 semaphore(%run_scoped3A : memref<!tpu.dma_semaphore, #tpu.memory_space<semaphore_mem>>) src(%arg17 : memref<64xf32, #tpu.memory_space<vmem>>) dst(%dma_wait3A_18 : memref<64xf32, #tpu.memory_space<hbm>>)
      tpu.yield
    }) : () -> ()
    "tpu.region"() ({
      %run_scoped3A = tpu.sem_alloc : memref<!tpu.dma_semaphore, #tpu.memory_space<semaphore_mem>>
      %dma_start3A = tpu.memref_slice %arg8[%mul3A_16] : memref<2048xf32, #tpu.memory_space<hbm>> -> memref<64xf32, #tpu.memory_space<hbm>>
      %dma_start3A_17 = tpu.memref_slice %arg8[%mul3A_16] : memref<2048xf32, #tpu.memory_space<hbm>> -> memref<64xf32, #tpu.memory_space<hbm>>
      tpu.enqueue_dma source(%arg18 : memref<64xf32, #tpu.memory_space<vmem>>) target(%dma_start3A_17 : memref<64xf32, #tpu.memory_space<hbm>>) target_semaphore(%run_scoped3A : memref<!tpu.dma_semaphore, #tpu.memory_space<semaphore_mem>>)
      %dma_wait3A = tpu.memref_slice %arg8[%mul3A_16] : memref<2048xf32, #tpu.memory_space<hbm>> -> memref<64xf32, #tpu.memory_space<hbm>>
      %dma_wait3A_18 = tpu.memref_slice %arg8[%mul3A_16] : memref<2048xf32, #tpu.memory_space<hbm>> -> memref<64xf32, #tpu.memory_space<hbm>>
      tpu.wait_dma2 semaphore(%run_scoped3A : memref<!tpu.dma_semaphore, #tpu.memory_space<semaphore_mem>>) src(%arg18 : memref<64xf32, #tpu.memory_space<vmem>>) dst(%dma_wait3A_18 : memref<64xf32, #tpu.memory_space<hbm>>)
      tpu.yield
    }) : () -> ()
    "tpu.region"() ({
      %run_scoped3A = tpu.sem_alloc : memref<!tpu.dma_semaphore, #tpu.memory_space<semaphore_mem>>
      %dma_start3A = arith.constant 0 : i32
      %dma_start3A_17 = tpu.memref_slice %arg9[%add3A, %dma_start3A] : memref<32x2048xf32, #tpu.memory_space<hbm>> -> memref<1x2048xf32, #tpu.memory_space<hbm>>
      %dma_start3A_18 = tpu.memref_squeeze %dma_start3A_17 : memref<1x2048xf32, #tpu.memory_space<hbm>> -> memref<2048xf32, #tpu.memory_space<hbm>>
      %dma_start3A_19 = arith.constant 0 : i32
      %dma_start3A_20 = tpu.memref_slice %arg9[%add3A, %dma_start3A_19] : memref<32x2048xf32, #tpu.memory_space<hbm>> -> memref<1x2048xf32, #tpu.memory_space<hbm>>
      %dma_start3A_21 = tpu.memref_squeeze %dma_start3A_20 : memref<1x2048xf32, #tpu.memory_space<hbm>> -> memref<2048xf32, #tpu.memory_space<hbm>>
      tpu.enqueue_dma source(%arg15 : memref<2048xf32, #tpu.memory_space<vmem>>) target(%dma_start3A_21 : memref<2048xf32, #tpu.memory_space<hbm>>) target_semaphore(%run_scoped3A : memref<!tpu.dma_semaphore, #tpu.memory_space<semaphore_mem>>)
      %dma_wait3A = arith.constant 0 : i32
      %dma_wait3A_22 = tpu.memref_slice %arg9[%add3A, %dma_wait3A] : memref<32x2048xf32, #tpu.memory_space<hbm>> -> memref<1x2048xf32, #tpu.memory_space<hbm>>
      %dma_wait3A_23 = tpu.memref_squeeze %dma_wait3A_22 : memref<1x2048xf32, #tpu.memory_space<hbm>> -> memref<2048xf32, #tpu.memory_space<hbm>>
      %dma_wait3A_24 = arith.constant 0 : i32
      %dma_wait3A_25 = tpu.memref_slice %arg9[%add3A, %dma_wait3A_24] : memref<32x2048xf32, #tpu.memory_space<hbm>> -> memref<1x2048xf32, #tpu.memory_space<hbm>>
      %dma_wait3A_26 = tpu.memref_squeeze %dma_wait3A_25 : memref<1x2048xf32, #tpu.memory_space<hbm>> -> memref<2048xf32, #tpu.memory_space<hbm>>
      tpu.wait_dma2 semaphore(%run_scoped3A : memref<!tpu.dma_semaphore, #tpu.memory_space<semaphore_mem>>) src(%arg15 : memref<2048xf32, #tpu.memory_space<vmem>>) dst(%dma_wait3A_26 : memref<2048xf32, #tpu.memory_space<hbm>>)
      tpu.yield
    }) : () -> ()
    "tpu.region"() ({
      %run_scoped3A = tpu.sem_alloc : memref<!tpu.dma_semaphore, #tpu.memory_space<semaphore_mem>>
      %dma_start3A = arith.constant 0 : i32
      %dma_start3A_17 = tpu.memref_slice %arg10[%add3A, %dma_start3A] : memref<32x2048xf32, #tpu.memory_space<hbm>> -> memref<1x2048xf32, #tpu.memory_space<hbm>>
      %dma_start3A_18 = tpu.memref_squeeze %dma_start3A_17 : memref<1x2048xf32, #tpu.memory_space<hbm>> -> memref<2048xf32, #tpu.memory_space<hbm>>
      %dma_start3A_19 = arith.constant 0 : i32
      %dma_start3A_20 = tpu.memref_slice %arg10[%add3A, %dma_start3A_19] : memref<32x2048xf32, #tpu.memory_space<hbm>> -> memref<1x2048xf32, #tpu.memory_space<hbm>>
      %dma_start3A_21 = tpu.memref_squeeze %dma_start3A_20 : memref<1x2048xf32, #tpu.memory_space<hbm>> -> memref<2048xf32, #tpu.memory_space<hbm>>
      tpu.enqueue_dma source(%arg16 : memref<2048xf32, #tpu.memory_space<vmem>>) target(%dma_start3A_21 : memref<2048xf32, #tpu.memory_space<hbm>>) target_semaphore(%run_scoped3A : memref<!tpu.dma_semaphore, #tpu.memory_space<semaphore_mem>>)
      %dma_wait3A = arith.constant 0 : i32
      %dma_wait3A_22 = tpu.memref_slice %arg10[%add3A, %dma_wait3A] : memref<32x2048xf32, #tpu.memory_space<hbm>> -> memref<1x2048xf32, #tpu.memory_space<hbm>>
      %dma_wait3A_23 = tpu.memref_squeeze %dma_wait3A_22 : memref<1x2048xf32, #tpu.memory_space<hbm>> -> memref<2048xf32, #tpu.memory_space<hbm>>
      %dma_wait3A_24 = arith.constant 0 : i32
      %dma_wait3A_25 = tpu.memref_slice %arg10[%add3A, %dma_wait3A_24] : memref<32x2048xf32, #tpu.memory_space<hbm>> -> memref<1x2048xf32, #tpu.memory_space<hbm>>
      %dma_wait3A_26 = tpu.memref_squeeze %dma_wait3A_25 : memref<1x2048xf32, #tpu.memory_space<hbm>> -> memref<2048xf32, #tpu.memory_space<hbm>>
      tpu.wait_dma2 semaphore(%run_scoped3A : memref<!tpu.dma_semaphore, #tpu.memory_space<semaphore_mem>>) src(%arg16 : memref<2048xf32, #tpu.memory_space<vmem>>) dst(%dma_wait3A_26 : memref<2048xf32, #tpu.memory_space<hbm>>)
      tpu.yield
    }) : () -> ()
    return
  }
}

module attributes {stable_mosaic.version = 14 : i64} {
  func.func @_chamfer_body(%arg0: i32, %arg1: i32, %arg2: memref<1x1024x3xf32, #tpu.memory_space<vmem>>, %arg3: memref<1x3x2048xf32, #tpu.memory_space<vmem>>, %arg4: memref<1x1024x8xbf16, #tpu.memory_space<vmem>>, %arg5: memref<1x8x2048xbf16, #tpu.memory_space<vmem>>, %arg6: memref<1x1024x1xf32, #tpu.memory_space<vmem>>, %arg7: memref<1x1024x1xi32, #tpu.memory_space<vmem>>, %arg8: memref<1x1x2048xf32, #tpu.memory_space<vmem>>, %arg9: memref<1x1x2048xi32, #tpu.memory_space<vmem>>) attributes {dimension_semantics = [#tpu.dimension_semantics<arbitrary>, #tpu.dimension_semantics<arbitrary>], iteration_bounds = array<i64: 7, 2>, scalar_prefetch = 0 : i64, scratch_operands = 0 : i64, tpu.core_type = #tpu.core_type<tc>, window_params = [{transform_indices = @transform_0, window_bounds = array<i64: 1, 1024, 3>}, {transform_indices = @transform_1, window_bounds = array<i64: 1, 3, 2048>}, {transform_indices = @transform_2, window_bounds = array<i64: 1, 1024, 8>}, {transform_indices = @transform_3, window_bounds = array<i64: 1, 8, 2048>}, {transform_indices = @transform_4, window_bounds = array<i64: 1, 1024, 1>}, {transform_indices = @transform_5, window_bounds = array<i64: 1, 1024, 1>}, {transform_indices = @transform_6, window_bounds = array<i64: 1, 1, 2048>}, {transform_indices = @transform_7, window_bounds = array<i64: 1, 1, 2048>}]} {
    %get3A = arith.constant 0 : index
    %get3A_0 = arith.constant 0 : index
    %get3A_1 = arith.constant 0 : index
    %get3A_2 = vector.load %arg2[%get3A, %get3A_0, %get3A_1] : memref<1x1024x3xf32, #tpu.memory_space<vmem>>, vector<1x1024x3xf32>
    %get3A_3 = vector.shape_cast %get3A_2 : vector<1x1024x3xf32> to vector<1024x3xf32>
    %get3A_4 = arith.constant 0 : index
    %get3A_5 = arith.constant 0 : index
    %get3A_6 = arith.constant 0 : index
    %get3A_7 = vector.load %arg3[%get3A_4, %get3A_5, %get3A_6] : memref<1x3x2048xf32, #tpu.memory_space<vmem>>, vector<1x3x2048xf32>
    %get3A_8 = vector.shape_cast %get3A_7 : vector<1x3x2048xf32> to vector<3x2048xf32>
    %slice3A = vector.extract_strided_slice %get3A_3 {offsets = [0, 0], sizes = [1024, 1], strides = [1, 1]} : vector<1024x3xf32> to vector<1024x1xf32>
    %slice3A_9 = vector.extract_strided_slice %get3A_3 {offsets = [0, 1], sizes = [1024, 1], strides = [1, 1]} : vector<1024x3xf32> to vector<1024x1xf32>
    %slice3A_10 = vector.extract_strided_slice %get3A_3 {offsets = [0, 2], sizes = [1024, 1], strides = [1, 1]} : vector<1024x3xf32> to vector<1024x1xf32>
    %slice3A_11 = vector.extract_strided_slice %get3A_8 {offsets = [0, 0], sizes = [1, 2048], strides = [1, 1]} : vector<3x2048xf32> to vector<1x2048xf32>
    %slice3A_12 = vector.extract_strided_slice %get3A_8 {offsets = [1, 0], sizes = [1, 2048], strides = [1, 1]} : vector<3x2048xf32> to vector<1x2048xf32>
    %slice3A_13 = vector.extract_strided_slice %get3A_8 {offsets = [2, 0], sizes = [1, 2048], strides = [1, 1]} : vector<3x2048xf32> to vector<1x2048xf32>
    %get3A_14 = arith.constant 0 : index
    %get3A_15 = arith.constant 0 : index
    %get3A_16 = arith.constant 0 : index
    %get3A_17 = vector.load %arg4[%get3A_14, %get3A_15, %get3A_16] : memref<1x1024x8xbf16, #tpu.memory_space<vmem>>, vector<1x1024x8xbf16>
    %get3A_18 = vector.shape_cast %get3A_17 : vector<1x1024x8xbf16> to vector<1024x8xbf16>
    %get3A_19 = arith.constant 0 : index
    %get3A_20 = arith.constant 0 : index
    %get3A_21 = arith.constant 0 : index
    %get3A_22 = vector.load %arg5[%get3A_19, %get3A_20, %get3A_21] : memref<1x8x2048xbf16, #tpu.memory_space<vmem>>, vector<1x8x2048xbf16>
    %get3A_23 = vector.shape_cast %get3A_22 : vector<1x8x2048xbf16> to vector<8x2048xbf16>
    %dot_general3A = arith.constant dense<0.000000e+00> : vector<1024x2048xf32>
    %dot_general3A_24 = tpu.matmul %get3A_18, %get3A_23, %dot_general3A {dimension_numbers = #tpu.dot_dimension_numbers<[1], [0], [0], [1], [0, 0, 1, 1], [], []>, transpose_lhs_hint = false} : vector<1024x8xbf16>, vector<8x2048xbf16>, vector<1024x2048xf32> -> vector<1024x2048xf32>
    %mul3A = arith.mulf %slice3A, %slice3A : vector<1024x1xf32>
    %mul3A_25 = arith.mulf %slice3A_9, %slice3A_9 : vector<1024x1xf32>
    %add3A = arith.addf %mul3A, %mul3A_25 : vector<1024x1xf32>
    %mul3A_26 = arith.mulf %slice3A_10, %slice3A_10 : vector<1024x1xf32>
    %add3A_27 = arith.addf %add3A, %mul3A_26 : vector<1024x1xf32>
    %mul3A_28 = arith.mulf %slice3A_11, %slice3A_11 : vector<1x2048xf32>
    %mul3A_29 = arith.mulf %slice3A_12, %slice3A_12 : vector<1x2048xf32>
    %add3A_30 = arith.addf %mul3A_28, %mul3A_29 : vector<1x2048xf32>
    %mul3A_31 = arith.mulf %slice3A_13, %slice3A_13 : vector<1x2048xf32>
    %add3A_32 = arith.addf %add3A_30, %mul3A_31 : vector<1x2048xf32>
    %add3A_33 = vector.broadcast %add3A_27 : vector<1024x1xf32> to vector<1024x2048xf32>
    %add3A_34 = vector.broadcast %add3A_32 : vector<1x2048xf32> to vector<1024x2048xf32>
    %add3A_35 = arith.addf %add3A_33, %add3A_34 : vector<1024x2048xf32>
    %add3A_36 = arith.addf %add3A_35, %dot_general3A_24 : vector<1024x2048xf32>
    %slice3A_37 = vector.extract_strided_slice %add3A_36 {offsets = [0, 0], sizes = [1024, 128], strides = [1, 1]} : vector<1024x2048xf32> to vector<1024x128xf32>
    %broadcast_in_dim3A = arith.constant 0.000000e+00 : f32
    %broadcast_in_dim3A_38 = vector.broadcast %broadcast_in_dim3A : f32 to vector<1024x128xf32>
    %slice3A_39 = vector.extract_strided_slice %add3A_36 {offsets = [0, 128], sizes = [1024, 128], strides = [1, 1]} : vector<1024x2048xf32> to vector<1024x128xf32>
    %lt3A = arith.cmpf olt, %slice3A_39, %slice3A_37 : vector<1024x128xf32>
    %select_n3A = arith.select %lt3A, %slice3A_39, %slice3A_37 : vector<1024x128xi1>, vector<1024x128xf32>
    %jit3A = arith.constant 1.000000e+00 : f32
    %broadcast_in_dim3A_40 = vector.broadcast %jit3A : f32 to vector<1024x128xf32>
    %select_n3A_41 = arith.select %lt3A, %broadcast_in_dim3A_40, %broadcast_in_dim3A_38 : vector<1024x128xi1>, vector<1024x128xf32>
    %slice3A_42 = vector.extract_strided_slice %add3A_36 {offsets = [0, 256], sizes = [1024, 128], strides = [1, 1]} : vector<1024x2048xf32> to vector<1024x128xf32>
    %lt3A_43 = arith.cmpf olt, %slice3A_42, %select_n3A : vector<1024x128xf32>
    %select_n3A_44 = arith.select %lt3A_43, %slice3A_42, %select_n3A : vector<1024x128xi1>, vector<1024x128xf32>
    %jit3A_45 = arith.constant 2.000000e+00 : f32
    %broadcast_in_dim3A_46 = vector.broadcast %jit3A_45 : f32 to vector<1024x128xf32>
    %select_n3A_47 = arith.select %lt3A_43, %broadcast_in_dim3A_46, %select_n3A_41 : vector<1024x128xi1>, vector<1024x128xf32>
    %slice3A_48 = vector.extract_strided_slice %add3A_36 {offsets = [0, 384], sizes = [1024, 128], strides = [1, 1]} : vector<1024x2048xf32> to vector<1024x128xf32>
    %lt3A_49 = arith.cmpf olt, %slice3A_48, %select_n3A_44 : vector<1024x128xf32>
    %select_n3A_50 = arith.select %lt3A_49, %slice3A_48, %select_n3A_44 : vector<1024x128xi1>, vector<1024x128xf32>
    %jit3A_51 = arith.constant 3.000000e+00 : f32
    %broadcast_in_dim3A_52 = vector.broadcast %jit3A_51 : f32 to vector<1024x128xf32>
    %select_n3A_53 = arith.select %lt3A_49, %broadcast_in_dim3A_52, %select_n3A_47 : vector<1024x128xi1>, vector<1024x128xf32>
    %slice3A_54 = vector.extract_strided_slice %add3A_36 {offsets = [0, 512], sizes = [1024, 128], strides = [1, 1]} : vector<1024x2048xf32> to vector<1024x128xf32>
    %lt3A_55 = arith.cmpf olt, %slice3A_54, %select_n3A_50 : vector<1024x128xf32>
    %select_n3A_56 = arith.select %lt3A_55, %slice3A_54, %select_n3A_50 : vector<1024x128xi1>, vector<1024x128xf32>
    %jit3A_57 = arith.constant 4.000000e+00 : f32
    %broadcast_in_dim3A_58 = vector.broadcast %jit3A_57 : f32 to vector<1024x128xf32>
    %select_n3A_59 = arith.select %lt3A_55, %broadcast_in_dim3A_58, %select_n3A_53 : vector<1024x128xi1>, vector<1024x128xf32>
    %slice3A_60 = vector.extract_strided_slice %add3A_36 {offsets = [0, 640], sizes = [1024, 128], strides = [1, 1]} : vector<1024x2048xf32> to vector<1024x128xf32>
    %lt3A_61 = arith.cmpf olt, %slice3A_60, %select_n3A_56 : vector<1024x128xf32>
    %select_n3A_62 = arith.select %lt3A_61, %slice3A_60, %select_n3A_56 : vector<1024x128xi1>, vector<1024x128xf32>
    %jit3A_63 = arith.constant 5.000000e+00 : f32
    %broadcast_in_dim3A_64 = vector.broadcast %jit3A_63 : f32 to vector<1024x128xf32>
    %select_n3A_65 = arith.select %lt3A_61, %broadcast_in_dim3A_64, %select_n3A_59 : vector<1024x128xi1>, vector<1024x128xf32>
    %slice3A_66 = vector.extract_strided_slice %add3A_36 {offsets = [0, 768], sizes = [1024, 128], strides = [1, 1]} : vector<1024x2048xf32> to vector<1024x128xf32>
    %lt3A_67 = arith.cmpf olt, %slice3A_66, %select_n3A_62 : vector<1024x128xf32>
    %select_n3A_68 = arith.select %lt3A_67, %slice3A_66, %select_n3A_62 : vector<1024x128xi1>, vector<1024x128xf32>
    %jit3A_69 = arith.constant 6.000000e+00 : f32
    %broadcast_in_dim3A_70 = vector.broadcast %jit3A_69 : f32 to vector<1024x128xf32>
    %select_n3A_71 = arith.select %lt3A_67, %broadcast_in_dim3A_70, %select_n3A_65 : vector<1024x128xi1>, vector<1024x128xf32>
    %slice3A_72 = vector.extract_strided_slice %add3A_36 {offsets = [0, 896], sizes = [1024, 128], strides = [1, 1]} : vector<1024x2048xf32> to vector<1024x128xf32>
    %lt3A_73 = arith.cmpf olt, %slice3A_72, %select_n3A_68 : vector<1024x128xf32>
    %select_n3A_74 = arith.select %lt3A_73, %slice3A_72, %select_n3A_68 : vector<1024x128xi1>, vector<1024x128xf32>
    %jit3A_75 = arith.constant 7.000000e+00 : f32
    %broadcast_in_dim3A_76 = vector.broadcast %jit3A_75 : f32 to vector<1024x128xf32>
    %select_n3A_77 = arith.select %lt3A_73, %broadcast_in_dim3A_76, %select_n3A_71 : vector<1024x128xi1>, vector<1024x128xf32>
    %slice3A_78 = vector.extract_strided_slice %add3A_36 {offsets = [0, 1024], sizes = [1024, 128], strides = [1, 1]} : vector<1024x2048xf32> to vector<1024x128xf32>
    %lt3A_79 = arith.cmpf olt, %slice3A_78, %select_n3A_74 : vector<1024x128xf32>
    %select_n3A_80 = arith.select %lt3A_79, %slice3A_78, %select_n3A_74 : vector<1024x128xi1>, vector<1024x128xf32>
    %jit3A_81 = arith.constant 8.000000e+00 : f32
    %broadcast_in_dim3A_82 = vector.broadcast %jit3A_81 : f32 to vector<1024x128xf32>
    %select_n3A_83 = arith.select %lt3A_79, %broadcast_in_dim3A_82, %select_n3A_77 : vector<1024x128xi1>, vector<1024x128xf32>
    %slice3A_84 = vector.extract_strided_slice %add3A_36 {offsets = [0, 1152], sizes = [1024, 128], strides = [1, 1]} : vector<1024x2048xf32> to vector<1024x128xf32>
    %lt3A_85 = arith.cmpf olt, %slice3A_84, %select_n3A_80 : vector<1024x128xf32>
    %select_n3A_86 = arith.select %lt3A_85, %slice3A_84, %select_n3A_80 : vector<1024x128xi1>, vector<1024x128xf32>
    %jit3A_87 = arith.constant 9.000000e+00 : f32
    %broadcast_in_dim3A_88 = vector.broadcast %jit3A_87 : f32 to vector<1024x128xf32>
    %select_n3A_89 = arith.select %lt3A_85, %broadcast_in_dim3A_88, %select_n3A_83 : vector<1024x128xi1>, vector<1024x128xf32>
    %slice3A_90 = vector.extract_strided_slice %add3A_36 {offsets = [0, 1280], sizes = [1024, 128], strides = [1, 1]} : vector<1024x2048xf32> to vector<1024x128xf32>
    %lt3A_91 = arith.cmpf olt, %slice3A_90, %select_n3A_86 : vector<1024x128xf32>
    %select_n3A_92 = arith.select %lt3A_91, %slice3A_90, %select_n3A_86 : vector<1024x128xi1>, vector<1024x128xf32>
    %jit3A_93 = arith.constant 1.000000e+01 : f32
    %broadcast_in_dim3A_94 = vector.broadcast %jit3A_93 : f32 to vector<1024x128xf32>
    %select_n3A_95 = arith.select %lt3A_91, %broadcast_in_dim3A_94, %select_n3A_89 : vector<1024x128xi1>, vector<1024x128xf32>
    %slice3A_96 = vector.extract_strided_slice %add3A_36 {offsets = [0, 1408], sizes = [1024, 128], strides = [1, 1]} : vector<1024x2048xf32> to vector<1024x128xf32>
    %lt3A_97 = arith.cmpf olt, %slice3A_96, %select_n3A_92 : vector<1024x128xf32>
    %select_n3A_98 = arith.select %lt3A_97, %slice3A_96, %select_n3A_92 : vector<1024x128xi1>, vector<1024x128xf32>
    %jit3A_99 = arith.constant 1.100000e+01 : f32
    %broadcast_in_dim3A_100 = vector.broadcast %jit3A_99 : f32 to vector<1024x128xf32>
    %select_n3A_101 = arith.select %lt3A_97, %broadcast_in_dim3A_100, %select_n3A_95 : vector<1024x128xi1>, vector<1024x128xf32>
    %slice3A_102 = vector.extract_strided_slice %add3A_36 {offsets = [0, 1536], sizes = [1024, 128], strides = [1, 1]} : vector<1024x2048xf32> to vector<1024x128xf32>
    %lt3A_103 = arith.cmpf olt, %slice3A_102, %select_n3A_98 : vector<1024x128xf32>
    %select_n3A_104 = arith.select %lt3A_103, %slice3A_102, %select_n3A_98 : vector<1024x128xi1>, vector<1024x128xf32>
    %jit3A_105 = arith.constant 1.200000e+01 : f32
    %broadcast_in_dim3A_106 = vector.broadcast %jit3A_105 : f32 to vector<1024x128xf32>
    %select_n3A_107 = arith.select %lt3A_103, %broadcast_in_dim3A_106, %select_n3A_101 : vector<1024x128xi1>, vector<1024x128xf32>
    %slice3A_108 = vector.extract_strided_slice %add3A_36 {offsets = [0, 1664], sizes = [1024, 128], strides = [1, 1]} : vector<1024x2048xf32> to vector<1024x128xf32>
    %lt3A_109 = arith.cmpf olt, %slice3A_108, %select_n3A_104 : vector<1024x128xf32>
    %select_n3A_110 = arith.select %lt3A_109, %slice3A_108, %select_n3A_104 : vector<1024x128xi1>, vector<1024x128xf32>
    %jit3A_111 = arith.constant 1.300000e+01 : f32
    %broadcast_in_dim3A_112 = vector.broadcast %jit3A_111 : f32 to vector<1024x128xf32>
    %select_n3A_113 = arith.select %lt3A_109, %broadcast_in_dim3A_112, %select_n3A_107 : vector<1024x128xi1>, vector<1024x128xf32>
    %slice3A_114 = vector.extract_strided_slice %add3A_36 {offsets = [0, 1792], sizes = [1024, 128], strides = [1, 1]} : vector<1024x2048xf32> to vector<1024x128xf32>
    %lt3A_115 = arith.cmpf olt, %slice3A_114, %select_n3A_110 : vector<1024x128xf32>
    %select_n3A_116 = arith.select %lt3A_115, %slice3A_114, %select_n3A_110 : vector<1024x128xi1>, vector<1024x128xf32>
    %jit3A_117 = arith.constant 1.400000e+01 : f32
    %broadcast_in_dim3A_118 = vector.broadcast %jit3A_117 : f32 to vector<1024x128xf32>
    %select_n3A_119 = arith.select %lt3A_115, %broadcast_in_dim3A_118, %select_n3A_113 : vector<1024x128xi1>, vector<1024x128xf32>
    %slice3A_120 = vector.extract_strided_slice %add3A_36 {offsets = [0, 1920], sizes = [1024, 128], strides = [1, 1]} : vector<1024x2048xf32> to vector<1024x128xf32>
    %lt3A_121 = arith.cmpf olt, %slice3A_120, %select_n3A_116 : vector<1024x128xf32>
    %select_n3A_122 = arith.select %lt3A_121, %slice3A_120, %select_n3A_116 : vector<1024x128xi1>, vector<1024x128xf32>
    %jit3A_123 = arith.constant 1.500000e+01 : f32
    %broadcast_in_dim3A_124 = vector.broadcast %jit3A_123 : f32 to vector<1024x128xf32>
    %select_n3A_125 = arith.select %lt3A_121, %broadcast_in_dim3A_124, %select_n3A_119 : vector<1024x128xi1>, vector<1024x128xf32>
    %reduce_min3A = arith.constant dense<0x7F800000> : vector<1024xf32>
    %reduce_min3A_126 = vector.multi_reduction <minimumf>, %select_n3A_122, %reduce_min3A [1] : vector<1024x128xf32> to vector<1024xf32>
    %broadcast_in_dim3A_127 = vector.shape_cast %reduce_min3A_126 : vector<1024xf32> to vector<1024x1xf32>
    %iota3A = tpu.iota {dimensions = array<i32: 1>} : vector<1024x128xi32>
    %convert_element_type3A = arith.sitofp %iota3A : vector<1024x128xi32> to vector<1024x128xf32>
    %mul3A_128 = arith.constant 1.280000e+02 : f32
    %mul3A_129 = vector.broadcast %mul3A_128 : f32 to vector<1024x128xf32>
    %mul3A_130 = arith.mulf %select_n3A_125, %mul3A_129 : vector<1024x128xf32>
    %add3A_131 = arith.addf %mul3A_130, %convert_element_type3A : vector<1024x128xf32>
    %eq3A = vector.broadcast %broadcast_in_dim3A_127 : vector<1024x1xf32> to vector<1024x128xf32>
    %eq3A_132 = arith.cmpf oeq, %select_n3A_122, %eq3A : vector<1024x128xf32>
    %jit3A_133 = arith.constant 0x4A800000 : f32
    %broadcast_in_dim3A_134 = vector.broadcast %jit3A_133 : f32 to vector<1024x128xf32>
    %select_n3A_135 = arith.select %eq3A_132, %add3A_131, %broadcast_in_dim3A_134 : vector<1024x128xi1>, vector<1024x128xf32>
    %reduce_min3A_136 = arith.constant dense<0x7F800000> : vector<1024xf32>
    %reduce_min3A_137 = vector.multi_reduction <minimumf>, %select_n3A_135, %reduce_min3A_136 [1] : vector<1024x128xf32> to vector<1024xf32>
    %broadcast_in_dim3A_138 = vector.shape_cast %reduce_min3A_137 : vector<1024xf32> to vector<1024x1xf32>
    %swap3A = arith.constant 0 : index
    %swap3A_139 = arith.constant 0 : index
    %swap3A_140 = arith.constant 0 : index
    %swap3A_141 = vector.load %arg6[%swap3A, %swap3A_139, %swap3A_140] : memref<1x1024x1xf32, #tpu.memory_space<vmem>>, vector<1x1024x1xf32>
    %swap3A_142 = vector.shape_cast %swap3A_141 : vector<1x1024x1xf32> to vector<1024x1xf32>
    %swap3A_143 = vector.shape_cast %broadcast_in_dim3A_127 : vector<1024x1xf32> to vector<1x1024x1xf32>
    tpu.vector_store %arg6[%swap3A, %swap3A_139, %swap3A_140], %swap3A_143 {strides = array<i32>} : memref<1x1024x1xf32, #tpu.memory_space<vmem>>, vector<1x1024x1xf32>,
    %convert_element_type3A_144 = arith.fptosi %broadcast_in_dim3A_138 : vector<1024x1xf32> to vector<1024x1xi32>
    %swap3A_145 = arith.constant 0 : index
    %swap3A_146 = arith.constant 0 : index
    %swap3A_147 = arith.constant 0 : index
    %swap3A_148 = vector.load %arg7[%swap3A_145, %swap3A_146, %swap3A_147] : memref<1x1024x1xi32, #tpu.memory_space<vmem>>, vector<1x1024x1xi32>
    %swap3A_149 = vector.shape_cast %swap3A_148 : vector<1x1024x1xi32> to vector<1024x1xi32>
    %swap3A_150 = vector.shape_cast %convert_element_type3A_144 : vector<1024x1xi32> to vector<1x1024x1xi32>
    tpu.vector_store %arg7[%swap3A_145, %swap3A_146, %swap3A_147], %swap3A_150 {strides = array<i32>} : memref<1x1024x1xi32, #tpu.memory_space<vmem>>, vector<1x1024x1xi32>,
    %slice3A_151 = vector.extract_strided_slice %add3A_36 {offsets = [0, 0], sizes = [8, 2048], strides = [1, 1]} : vector<1024x2048xf32> to vector<8x2048xf32>
    %broadcast_in_dim3A_152 = arith.constant 0.000000e+00 : f32
    %broadcast_in_dim3A_153 = vector.broadcast %broadcast_in_dim3A_152 : f32 to vector<8x2048xf32>
    %slice3A_154 = vector.extract_strided_slice %add3A_36 {offsets = [8, 0], sizes = [8, 2048], strides = [1, 1]} : vector<1024x2048xf32> to vector<8x2048xf32>
    %lt3A_155 = arith.cmpf olt, %slice3A_154, %slice3A_151 : vector<8x2048xf32>
    %select_n3A_156 = arith.select %lt3A_155, %slice3A_154, %slice3A_151 : vector<8x2048xi1>, vector<8x2048xf32>
    %jit3A_157 = arith.constant 1.000000e+00 : f32
    %broadcast_in_dim3A_158 = vector.broadcast %jit3A_157 : f32 to vector<8x2048xf32>
    %select_n3A_159 = arith.select %lt3A_155, %broadcast_in_dim3A_158, %broadcast_in_dim3A_153 : vector<8x2048xi1>, vector<8x2048xf32>
    %slice3A_160 = vector.extract_strided_slice %add3A_36 {offsets = [16, 0], sizes = [8, 2048], strides = [1, 1]} : vector<1024x2048xf32> to vector<8x2048xf32>
    %lt3A_161 = arith.cmpf olt, %slice3A_160, %select_n3A_156 : vector<8x2048xf32>
    %select_n3A_162 = arith.select %lt3A_161, %slice3A_160, %select_n3A_156 : vector<8x2048xi1>, vector<8x2048xf32>
    %jit3A_163 = arith.constant 2.000000e+00 : f32
    %broadcast_in_dim3A_164 = vector.broadcast %jit3A_163 : f32 to vector<8x2048xf32>
    %select_n3A_165 = arith.select %lt3A_161, %broadcast_in_dim3A_164, %select_n3A_159 : vector<8x2048xi1>, vector<8x2048xf32>
    %slice3A_166 = vector.extract_strided_slice %add3A_36 {offsets = [24, 0], sizes = [8, 2048], strides = [1, 1]} : vector<1024x2048xf32> to vector<8x2048xf32>
    %lt3A_167 = arith.cmpf olt, %slice3A_166, %select_n3A_162 : vector<8x2048xf32>
    %select_n3A_168 = arith.select %lt3A_167, %slice3A_166, %select_n3A_162 : vector<8x2048xi1>, vector<8x2048xf32>
    %jit3A_169 = arith.constant 3.000000e+00 : f32
    %broadcast_in_dim3A_170 = vector.broadcast %jit3A_169 : f32 to vector<8x2048xf32>
    %select_n3A_171 = arith.select %lt3A_167, %broadcast_in_dim3A_170, %select_n3A_165 : vector<8x2048xi1>, vector<8x2048xf32>
    %slice3A_172 = vector.extract_strided_slice %add3A_36 {offsets = [32, 0], sizes = [8, 2048], strides = [1, 1]} : vector<1024x2048xf32> to vector<8x2048xf32>
    %lt3A_173 = arith.cmpf olt, %slice3A_172, %select_n3A_168 : vector<8x2048xf32>
    %select_n3A_174 = arith.select %lt3A_173, %slice3A_172, %select_n3A_168 : vector<8x2048xi1>, vector<8x2048xf32>
    %jit3A_175 = arith.constant 4.000000e+00 : f32
    %broadcast_in_dim3A_176 = vector.broadcast %jit3A_175 : f32 to vector<8x2048xf32>
    %select_n3A_177 = arith.select %lt3A_173, %broadcast_in_dim3A_176, %select_n3A_171 : vector<8x2048xi1>, vector<8x2048xf32>
    %slice3A_178 = vector.extract_strided_slice %add3A_36 {offsets = [40, 0], sizes = [8, 2048], strides = [1, 1]} : vector<1024x2048xf32> to vector<8x2048xf32>
    %lt3A_179 = arith.cmpf olt, %slice3A_178, %select_n3A_174 : vector<8x2048xf32>
    %select_n3A_180 = arith.select %lt3A_179, %slice3A_178, %select_n3A_174 : vector<8x2048xi1>, vector<8x2048xf32>
    %jit3A_181 = arith.constant 5.000000e+00 : f32
    %broadcast_in_dim3A_182 = vector.broadcast %jit3A_181 : f32 to vector<8x2048xf32>
    %select_n3A_183 = arith.select %lt3A_179, %broadcast_in_dim3A_182, %select_n3A_177 : vector<8x2048xi1>, vector<8x2048xf32>
    %slice3A_184 = vector.extract_strided_slice %add3A_36 {offsets = [48, 0], sizes = [8, 2048], strides = [1, 1]} : vector<1024x2048xf32> to vector<8x2048xf32>
    %lt3A_185 = arith.cmpf olt, %slice3A_184, %select_n3A_180 : vector<8x2048xf32>
    %select_n3A_186 = arith.select %lt3A_185, %slice3A_184, %select_n3A_180 : vector<8x2048xi1>, vector<8x2048xf32>
    %jit3A_187 = arith.constant 6.000000e+00 : f32
    %broadcast_in_dim3A_188 = vector.broadcast %jit3A_187 : f32 to vector<8x2048xf32>
    %select_n3A_189 = arith.select %lt3A_185, %broadcast_in_dim3A_188, %select_n3A_183 : vector<8x2048xi1>, vector<8x2048xf32>
    %slice3A_190 = vector.extract_strided_slice %add3A_36 {offsets = [56, 0], sizes = [8, 2048], strides = [1, 1]} : vector<1024x2048xf32> to vector<8x2048xf32>
    %lt3A_191 = arith.cmpf olt, %slice3A_190, %select_n3A_186 : vector<8x2048xf32>
    %select_n3A_192 = arith.select %lt3A_191, %slice3A_190, %select_n3A_186 : vector<8x2048xi1>, vector<8x2048xf32>
    %jit3A_193 = arith.constant 7.000000e+00 : f32
    %broadcast_in_dim3A_194 = vector.broadcast %jit3A_193 : f32 to vector<8x2048xf32>
    %select_n3A_195 = arith.select %lt3A_191, %broadcast_in_dim3A_194, %select_n3A_189 : vector<8x2048xi1>, vector<8x2048xf32>
    %slice3A_196 = vector.extract_strided_slice %add3A_36 {offsets = [64, 0], sizes = [8, 2048], strides = [1, 1]} : vector<1024x2048xf32> to vector<8x2048xf32>
    %lt3A_197 = arith.cmpf olt, %slice3A_196, %select_n3A_192 : vector<8x2048xf32>
    %select_n3A_198 = arith.select %lt3A_197, %slice3A_196, %select_n3A_192 : vector<8x2048xi1>, vector<8x2048xf32>
    %jit3A_199 = arith.constant 8.000000e+00 : f32
    %broadcast_in_dim3A_200 = vector.broadcast %jit3A_199 : f32 to vector<8x2048xf32>
    %select_n3A_201 = arith.select %lt3A_197, %broadcast_in_dim3A_200, %select_n3A_195 : vector<8x2048xi1>, vector<8x2048xf32>
    %slice3A_202 = vector.extract_strided_slice %add3A_36 {offsets = [72, 0], sizes = [8, 2048], strides = [1, 1]} : vector<1024x2048xf32> to vector<8x2048xf32>
    %lt3A_203 = arith.cmpf olt, %slice3A_202, %select_n3A_198 : vector<8x2048xf32>
    %select_n3A_204 = arith.select %lt3A_203, %slice3A_202, %select_n3A_198 : vector<8x2048xi1>, vector<8x2048xf32>
    %jit3A_205 = arith.constant 9.000000e+00 : f32
    %broadcast_in_dim3A_206 = vector.broadcast %jit3A_205 : f32 to vector<8x2048xf32>
    %select_n3A_207 = arith.select %lt3A_203, %broadcast_in_dim3A_206, %select_n3A_201 : vector<8x2048xi1>, vector<8x2048xf32>
    %slice3A_208 = vector.extract_strided_slice %add3A_36 {offsets = [80, 0], sizes = [8, 2048], strides = [1, 1]} : vector<1024x2048xf32> to vector<8x2048xf32>
    %lt3A_209 = arith.cmpf olt, %slice3A_208, %select_n3A_204 : vector<8x2048xf32>
    %select_n3A_210 = arith.select %lt3A_209, %slice3A_208, %select_n3A_204 : vector<8x2048xi1>, vector<8x2048xf32>
    %jit3A_211 = arith.constant 1.000000e+01 : f32
    %broadcast_in_dim3A_212 = vector.broadcast %jit3A_211 : f32 to vector<8x2048xf32>
    %select_n3A_213 = arith.select %lt3A_209, %broadcast_in_dim3A_212, %select_n3A_207 : vector<8x2048xi1>, vector<8x2048xf32>
    %slice3A_214 = vector.extract_strided_slice %add3A_36 {offsets = [88, 0], sizes = [8, 2048], strides = [1, 1]} : vector<1024x2048xf32> to vector<8x2048xf32>
    %lt3A_215 = arith.cmpf olt, %slice3A_214, %select_n3A_210 : vector<8x2048xf32>
    %select_n3A_216 = arith.select %lt3A_215, %slice3A_214, %select_n3A_210 : vector<8x2048xi1>, vector<8x2048xf32>
    %jit3A_217 = arith.constant 1.100000e+01 : f32
    %broadcast_in_dim3A_218 = vector.broadcast %jit3A_217 : f32 to vector<8x2048xf32>
    %select_n3A_219 = arith.select %lt3A_215, %broadcast_in_dim3A_218, %select_n3A_213 : vector<8x2048xi1>, vector<8x2048xf32>
    %slice3A_220 = vector.extract_strided_slice %add3A_36 {offsets = [96, 0], sizes = [8, 2048], strides = [1, 1]} : vector<1024x2048xf32> to vector<8x2048xf32>
    %lt3A_221 = arith.cmpf olt, %slice3A_220, %select_n3A_216 : vector<8x2048xf32>
    %select_n3A_222 = arith.select %lt3A_221, %slice3A_220, %select_n3A_216 : vector<8x2048xi1>, vector<8x2048xf32>
    %jit3A_223 = arith.constant 1.200000e+01 : f32
    %broadcast_in_dim3A_224 = vector.broadcast %jit3A_223 : f32 to vector<8x2048xf32>
    %select_n3A_225 = arith.select %lt3A_221, %broadcast_in_dim3A_224, %select_n3A_219 : vector<8x2048xi1>, vector<8x2048xf32>
    %slice3A_226 = vector.extract_strided_slice %add3A_36 {offsets = [104, 0], sizes = [8, 2048], strides = [1, 1]} : vector<1024x2048xf32> to vector<8x2048xf32>
    %lt3A_227 = arith.cmpf olt, %slice3A_226, %select_n3A_222 : vector<8x2048xf32>
    %select_n3A_228 = arith.select %lt3A_227, %slice3A_226, %select_n3A_222 : vector<8x2048xi1>, vector<8x2048xf32>
    %jit3A_229 = arith.constant 1.300000e+01 : f32
    %broadcast_in_dim3A_230 = vector.broadcast %jit3A_229 : f32 to vector<8x2048xf32>
    %select_n3A_231 = arith.select %lt3A_227, %broadcast_in_dim3A_230, %select_n3A_225 : vector<8x2048xi1>, vector<8x2048xf32>
    %slice3A_232 = vector.extract_strided_slice %add3A_36 {offsets = [112, 0], sizes = [8, 2048], strides = [1, 1]} : vector<1024x2048xf32> to vector<8x2048xf32>
    %lt3A_233 = arith.cmpf olt, %slice3A_232, %select_n3A_228 : vector<8x2048xf32>
    %select_n3A_234 = arith.select %lt3A_233, %slice3A_232, %select_n3A_228 : vector<8x2048xi1>, vector<8x2048xf32>
    %jit3A_235 = arith.constant 1.400000e+01 : f32
    %broadcast_in_dim3A_236 = vector.broadcast %jit3A_235 : f32 to vector<8x2048xf32>
    %select_n3A_237 = arith.select %lt3A_233, %broadcast_in_dim3A_236, %select_n3A_231 : vector<8x2048xi1>, vector<8x2048xf32>
    %slice3A_238 = vector.extract_strided_slice %add3A_36 {offsets = [120, 0], sizes = [8, 2048], strides = [1, 1]} : vector<1024x2048xf32> to vector<8x2048xf32>
    %lt3A_239 = arith.cmpf olt, %slice3A_238, %select_n3A_234 : vector<8x2048xf32>
    %select_n3A_240 = arith.select %lt3A_239, %slice3A_238, %select_n3A_234 : vector<8x2048xi1>, vector<8x2048xf32>
    %jit3A_241 = arith.constant 1.500000e+01 : f32
    %broadcast_in_dim3A_242 = vector.broadcast %jit3A_241 : f32 to vector<8x2048xf32>
    %select_n3A_243 = arith.select %lt3A_239, %broadcast_in_dim3A_242, %select_n3A_237 : vector<8x2048xi1>, vector<8x2048xf32>
    %slice3A_244 = vector.extract_strided_slice %add3A_36 {offsets = [128, 0], sizes = [8, 2048], strides = [1, 1]} : vector<1024x2048xf32> to vector<8x2048xf32>
    %lt3A_245 = arith.cmpf olt, %slice3A_244, %select_n3A_240 : vector<8x2048xf32>
    %select_n3A_246 = arith.select %lt3A_245, %slice3A_244, %select_n3A_240 : vector<8x2048xi1>, vector<8x2048xf32>
    %jit3A_247 = arith.constant 1.600000e+01 : f32
    %broadcast_in_dim3A_248 = vector.broadcast %jit3A_247 : f32 to vector<8x2048xf32>
    %select_n3A_249 = arith.select %lt3A_245, %broadcast_in_dim3A_248, %select_n3A_243 : vector<8x2048xi1>, vector<8x2048xf32>
    %slice3A_250 = vector.extract_strided_slice %add3A_36 {offsets = [136, 0], sizes = [8, 2048], strides = [1, 1]} : vector<1024x2048xf32> to vector<8x2048xf32>
    %lt3A_251 = arith.cmpf olt, %slice3A_250, %select_n3A_246 : vector<8x2048xf32>
    %select_n3A_252 = arith.select %lt3A_251, %slice3A_250, %select_n3A_246 : vector<8x2048xi1>, vector<8x2048xf32>
    %jit3A_253 = arith.constant 1.700000e+01 : f32
    %broadcast_in_dim3A_254 = vector.broadcast %jit3A_253 : f32 to vector<8x2048xf32>
    %select_n3A_255 = arith.select %lt3A_251, %broadcast_in_dim3A_254, %select_n3A_249 : vector<8x2048xi1>, vector<8x2048xf32>
    %slice3A_256 = vector.extract_strided_slice %add3A_36 {offsets = [144, 0], sizes = [8, 2048], strides = [1, 1]} : vector<1024x2048xf32> to vector<8x2048xf32>
    %lt3A_257 = arith.cmpf olt, %slice3A_256, %select_n3A_252 : vector<8x2048xf32>
    %select_n3A_258 = arith.select %lt3A_257, %slice3A_256, %select_n3A_252 : vector<8x2048xi1>, vector<8x2048xf32>
    %jit3A_259 = arith.constant 1.800000e+01 : f32
    %broadcast_in_dim3A_260 = vector.broadcast %jit3A_259 : f32 to vector<8x2048xf32>
    %select_n3A_261 = arith.select %lt3A_257, %broadcast_in_dim3A_260, %select_n3A_255 : vector<8x2048xi1>, vector<8x2048xf32>
    %slice3A_262 = vector.extract_strided_slice %add3A_36 {offsets = [152, 0], sizes = [8, 2048], strides = [1, 1]} : vector<1024x2048xf32> to vector<8x2048xf32>
    %lt3A_263 = arith.cmpf olt, %slice3A_262, %select_n3A_258 : vector<8x2048xf32>
    %select_n3A_264 = arith.select %lt3A_263, %slice3A_262, %select_n3A_258 : vector<8x2048xi1>, vector<8x2048xf32>
    %jit3A_265 = arith.constant 1.900000e+01 : f32
    %broadcast_in_dim3A_266 = vector.broadcast %jit3A_265 : f32 to vector<8x2048xf32>
    %select_n3A_267 = arith.select %lt3A_263, %broadcast_in_dim3A_266, %select_n3A_261 : vector<8x2048xi1>, vector<8x2048xf32>
    %slice3A_268 = vector.extract_strided_slice %add3A_36 {offsets = [160, 0], sizes = [8, 2048], strides = [1, 1]} : vector<1024x2048xf32> to vector<8x2048xf32>
    %lt3A_269 = arith.cmpf olt, %slice3A_268, %select_n3A_264 : vector<8x2048xf32>
    %select_n3A_270 = arith.select %lt3A_269, %slice3A_268, %select_n3A_264 : vector<8x2048xi1>, vector<8x2048xf32>
    %jit3A_271 = arith.constant 2.000000e+01 : f32
    %broadcast_in_dim3A_272 = vector.broadcast %jit3A_271 : f32 to vector<8x2048xf32>
    %select_n3A_273 = arith.select %lt3A_269, %broadcast_in_dim3A_272, %select_n3A_267 : vector<8x2048xi1>, vector<8x2048xf32>
    %slice3A_274 = vector.extract_strided_slice %add3A_36 {offsets = [168, 0], sizes = [8, 2048], strides = [1, 1]} : vector<1024x2048xf32> to vector<8x2048xf32>
    %lt3A_275 = arith.cmpf olt, %slice3A_274, %select_n3A_270 : vector<8x2048xf32>
    %select_n3A_276 = arith.select %lt3A_275, %slice3A_274, %select_n3A_270 : vector<8x2048xi1>, vector<8x2048xf32>
    %jit3A_277 = arith.constant 2.100000e+01 : f32
    %broadcast_in_dim3A_278 = vector.broadcast %jit3A_277 : f32 to vector<8x2048xf32>
    %select_n3A_279 = arith.select %lt3A_275, %broadcast_in_dim3A_278, %select_n3A_273 : vector<8x2048xi1>, vector<8x2048xf32>
    %slice3A_280 = vector.extract_strided_slice %add3A_36 {offsets = [176, 0], sizes = [8, 2048], strides = [1, 1]} : vector<1024x2048xf32> to vector<8x2048xf32>
    %lt3A_281 = arith.cmpf olt, %slice3A_280, %select_n3A_276 : vector<8x2048xf32>
    %select_n3A_282 = arith.select %lt3A_281, %slice3A_280, %select_n3A_276 : vector<8x2048xi1>, vector<8x2048xf32>
    %jit3A_283 = arith.constant 2.200000e+01 : f32
    %broadcast_in_dim3A_284 = vector.broadcast %jit3A_283 : f32 to vector<8x2048xf32>
    %select_n3A_285 = arith.select %lt3A_281, %broadcast_in_dim3A_284, %select_n3A_279 : vector<8x2048xi1>, vector<8x2048xf32>
    %slice3A_286 = vector.extract_strided_slice %add3A_36 {offsets = [184, 0], sizes = [8, 2048], strides = [1, 1]} : vector<1024x2048xf32> to vector<8x2048xf32>
    %lt3A_287 = arith.cmpf olt, %slice3A_286, %select_n3A_282 : vector<8x2048xf32>
    %select_n3A_288 = arith.select %lt3A_287, %slice3A_286, %select_n3A_282 : vector<8x2048xi1>, vector<8x2048xf32>
    %jit3A_289 = arith.constant 2.300000e+01 : f32
    %broadcast_in_dim3A_290 = vector.broadcast %jit3A_289 : f32 to vector<8x2048xf32>
    %select_n3A_291 = arith.select %lt3A_287, %broadcast_in_dim3A_290, %select_n3A_285 : vector<8x2048xi1>, vector<8x2048xf32>
    %slice3A_292 = vector.extract_strided_slice %add3A_36 {offsets = [192, 0], sizes = [8, 2048], strides = [1, 1]} : vector<1024x2048xf32> to vector<8x2048xf32>
    %lt3A_293 = arith.cmpf olt, %slice3A_292, %select_n3A_288 : vector<8x2048xf32>
    %select_n3A_294 = arith.select %lt3A_293, %slice3A_292, %select_n3A_288 : vector<8x2048xi1>, vector<8x2048xf32>
    %jit3A_295 = arith.constant 2.400000e+01 : f32
    %broadcast_in_dim3A_296 = vector.broadcast %jit3A_295 : f32 to vector<8x2048xf32>
    %select_n3A_297 = arith.select %lt3A_293, %broadcast_in_dim3A_296, %select_n3A_291 : vector<8x2048xi1>, vector<8x2048xf32>
    %slice3A_298 = vector.extract_strided_slice %add3A_36 {offsets = [200, 0], sizes = [8, 2048], strides = [1, 1]} : vector<1024x2048xf32> to vector<8x2048xf32>
    %lt3A_299 = arith.cmpf olt, %slice3A_298, %select_n3A_294 : vector<8x2048xf32>
    %select_n3A_300 = arith.select %lt3A_299, %slice3A_298, %select_n3A_294 : vector<8x2048xi1>, vector<8x2048xf32>
    %jit3A_301 = arith.constant 2.500000e+01 : f32
    %broadcast_in_dim3A_302 = vector.broadcast %jit3A_301 : f32 to vector<8x2048xf32>
    %select_n3A_303 = arith.select %lt3A_299, %broadcast_in_dim3A_302, %select_n3A_297 : vector<8x2048xi1>, vector<8x2048xf32>
    %slice3A_304 = vector.extract_strided_slice %add3A_36 {offsets = [208, 0], sizes = [8, 2048], strides = [1, 1]} : vector<1024x2048xf32> to vector<8x2048xf32>
    %lt3A_305 = arith.cmpf olt, %slice3A_304, %select_n3A_300 : vector<8x2048xf32>
    %select_n3A_306 = arith.select %lt3A_305, %slice3A_304, %select_n3A_300 : vector<8x2048xi1>, vector<8x2048xf32>
    %jit3A_307 = arith.constant 2.600000e+01 : f32
    %broadcast_in_dim3A_308 = vector.broadcast %jit3A_307 : f32 to vector<8x2048xf32>
    %select_n3A_309 = arith.select %lt3A_305, %broadcast_in_dim3A_308, %select_n3A_303 : vector<8x2048xi1>, vector<8x2048xf32>
    %slice3A_310 = vector.extract_strided_slice %add3A_36 {offsets = [216, 0], sizes = [8, 2048], strides = [1, 1]} : vector<1024x2048xf32> to vector<8x2048xf32>
    %lt3A_311 = arith.cmpf olt, %slice3A_310, %select_n3A_306 : vector<8x2048xf32>
    %select_n3A_312 = arith.select %lt3A_311, %slice3A_310, %select_n3A_306 : vector<8x2048xi1>, vector<8x2048xf32>
    %jit3A_313 = arith.constant 2.700000e+01 : f32
    %broadcast_in_dim3A_314 = vector.broadcast %jit3A_313 : f32 to vector<8x2048xf32>
    %select_n3A_315 = arith.select %lt3A_311, %broadcast_in_dim3A_314, %select_n3A_309 : vector<8x2048xi1>, vector<8x2048xf32>
    %slice3A_316 = vector.extract_strided_slice %add3A_36 {offsets = [224, 0], sizes = [8, 2048], strides = [1, 1]} : vector<1024x2048xf32> to vector<8x2048xf32>
    %lt3A_317 = arith.cmpf olt, %slice3A_316, %select_n3A_312 : vector<8x2048xf32>
    %select_n3A_318 = arith.select %lt3A_317, %slice3A_316, %select_n3A_312 : vector<8x2048xi1>, vector<8x2048xf32>
    %jit3A_319 = arith.constant 2.800000e+01 : f32
    %broadcast_in_dim3A_320 = vector.broadcast %jit3A_319 : f32 to vector<8x2048xf32>
    %select_n3A_321 = arith.select %lt3A_317, %broadcast_in_dim3A_320, %select_n3A_315 : vector<8x2048xi1>, vector<8x2048xf32>
    %slice3A_322 = vector.extract_strided_slice %add3A_36 {offsets = [232, 0], sizes = [8, 2048], strides = [1, 1]} : vector<1024x2048xf32> to vector<8x2048xf32>
    %lt3A_323 = arith.cmpf olt, %slice3A_322, %select_n3A_318 : vector<8x2048xf32>
    %select_n3A_324 = arith.select %lt3A_323, %slice3A_322, %select_n3A_318 : vector<8x2048xi1>, vector<8x2048xf32>
    %jit3A_325 = arith.constant 2.900000e+01 : f32
    %broadcast_in_dim3A_326 = vector.broadcast %jit3A_325 : f32 to vector<8x2048xf32>
    %select_n3A_327 = arith.select %lt3A_323, %broadcast_in_dim3A_326, %select_n3A_321 : vector<8x2048xi1>, vector<8x2048xf32>
    %slice3A_328 = vector.extract_strided_slice %add3A_36 {offsets = [240, 0], sizes = [8, 2048], strides = [1, 1]} : vector<1024x2048xf32> to vector<8x2048xf32>
    %lt3A_329 = arith.cmpf olt, %slice3A_328, %select_n3A_324 : vector<8x2048xf32>
    %select_n3A_330 = arith.select %lt3A_329, %slice3A_328, %select_n3A_324 : vector<8x2048xi1>, vector<8x2048xf32>
    %jit3A_331 = arith.constant 3.000000e+01 : f32
    %broadcast_in_dim3A_332 = vector.broadcast %jit3A_331 : f32 to vector<8x2048xf32>
    %select_n3A_333 = arith.select %lt3A_329, %broadcast_in_dim3A_332, %select_n3A_327 : vector<8x2048xi1>, vector<8x2048xf32>
    %slice3A_334 = vector.extract_strided_slice %add3A_36 {offsets = [248, 0], sizes = [8, 2048], strides = [1, 1]} : vector<1024x2048xf32> to vector<8x2048xf32>
    %lt3A_335 = arith.cmpf olt, %slice3A_334, %select_n3A_330 : vector<8x2048xf32>
    %select_n3A_336 = arith.select %lt3A_335, %slice3A_334, %select_n3A_330 : vector<8x2048xi1>, vector<8x2048xf32>
    %jit3A_337 = arith.constant 3.100000e+01 : f32
    %broadcast_in_dim3A_338 = vector.broadcast %jit3A_337 : f32 to vector<8x2048xf32>
    %select_n3A_339 = arith.select %lt3A_335, %broadcast_in_dim3A_338, %select_n3A_333 : vector<8x2048xi1>, vector<8x2048xf32>
    %slice3A_340 = vector.extract_strided_slice %add3A_36 {offsets = [256, 0], sizes = [8, 2048], strides = [1, 1]} : vector<1024x2048xf32> to vector<8x2048xf32>
    %lt3A_341 = arith.cmpf olt, %slice3A_340, %select_n3A_336 : vector<8x2048xf32>
    %select_n3A_342 = arith.select %lt3A_341, %slice3A_340, %select_n3A_336 : vector<8x2048xi1>, vector<8x2048xf32>
    %jit3A_343 = arith.constant 3.200000e+01 : f32
    %broadcast_in_dim3A_344 = vector.broadcast %jit3A_343 : f32 to vector<8x2048xf32>
    %select_n3A_345 = arith.select %lt3A_341, %broadcast_in_dim3A_344, %select_n3A_339 : vector<8x2048xi1>, vector<8x2048xf32>
    %slice3A_346 = vector.extract_strided_slice %add3A_36 {offsets = [264, 0], sizes = [8, 2048], strides = [1, 1]} : vector<1024x2048xf32> to vector<8x2048xf32>
    %lt3A_347 = arith.cmpf olt, %slice3A_346, %select_n3A_342 : vector<8x2048xf32>
    %select_n3A_348 = arith.select %lt3A_347, %slice3A_346, %select_n3A_342 : vector<8x2048xi1>, vector<8x2048xf32>
    %jit3A_349 = arith.constant 3.300000e+01 : f32
    %broadcast_in_dim3A_350 = vector.broadcast %jit3A_349 : f32 to vector<8x2048xf32>
    %select_n3A_351 = arith.select %lt3A_347, %broadcast_in_dim3A_350, %select_n3A_345 : vector<8x2048xi1>, vector<8x2048xf32>
    %slice3A_352 = vector.extract_strided_slice %add3A_36 {offsets = [272, 0], sizes = [8, 2048], strides = [1, 1]} : vector<1024x2048xf32> to vector<8x2048xf32>
    %lt3A_353 = arith.cmpf olt, %slice3A_352, %select_n3A_348 : vector<8x2048xf32>
    %select_n3A_354 = arith.select %lt3A_353, %slice3A_352, %select_n3A_348 : vector<8x2048xi1>, vector<8x2048xf32>
    %jit3A_355 = arith.constant 3.400000e+01 : f32
    %broadcast_in_dim3A_356 = vector.broadcast %jit3A_355 : f32 to vector<8x2048xf32>
    %select_n3A_357 = arith.select %lt3A_353, %broadcast_in_dim3A_356, %select_n3A_351 : vector<8x2048xi1>, vector<8x2048xf32>
    %slice3A_358 = vector.extract_strided_slice %add3A_36 {offsets = [280, 0], sizes = [8, 2048], strides = [1, 1]} : vector<1024x2048xf32> to vector<8x2048xf32>
    %lt3A_359 = arith.cmpf olt, %slice3A_358, %select_n3A_354 : vector<8x2048xf32>
    %select_n3A_360 = arith.select %lt3A_359, %slice3A_358, %select_n3A_354 : vector<8x2048xi1>, vector<8x2048xf32>
    %jit3A_361 = arith.constant 3.500000e+01 : f32
    %broadcast_in_dim3A_362 = vector.broadcast %jit3A_361 : f32 to vector<8x2048xf32>
    %select_n3A_363 = arith.select %lt3A_359, %broadcast_in_dim3A_362, %select_n3A_357 : vector<8x2048xi1>, vector<8x2048xf32>
    %slice3A_364 = vector.extract_strided_slice %add3A_36 {offsets = [288, 0], sizes = [8, 2048], strides = [1, 1]} : vector<1024x2048xf32> to vector<8x2048xf32>
    %lt3A_365 = arith.cmpf olt, %slice3A_364, %select_n3A_360 : vector<8x2048xf32>
    %select_n3A_366 = arith.select %lt3A_365, %slice3A_364, %select_n3A_360 : vector<8x2048xi1>, vector<8x2048xf32>
    %jit3A_367 = arith.constant 3.600000e+01 : f32
    %broadcast_in_dim3A_368 = vector.broadcast %jit3A_367 : f32 to vector<8x2048xf32>
    %select_n3A_369 = arith.select %lt3A_365, %broadcast_in_dim3A_368, %select_n3A_363 : vector<8x2048xi1>, vector<8x2048xf32>
    %slice3A_370 = vector.extract_strided_slice %add3A_36 {offsets = [296, 0], sizes = [8, 2048], strides = [1, 1]} : vector<1024x2048xf32> to vector<8x2048xf32>
    %lt3A_371 = arith.cmpf olt, %slice3A_370, %select_n3A_366 : vector<8x2048xf32>
    %select_n3A_372 = arith.select %lt3A_371, %slice3A_370, %select_n3A_366 : vector<8x2048xi1>, vector<8x2048xf32>
    %jit3A_373 = arith.constant 3.700000e+01 : f32
    %broadcast_in_dim3A_374 = vector.broadcast %jit3A_373 : f32 to vector<8x2048xf32>
    %select_n3A_375 = arith.select %lt3A_371, %broadcast_in_dim3A_374, %select_n3A_369 : vector<8x2048xi1>, vector<8x2048xf32>
    %slice3A_376 = vector.extract_strided_slice %add3A_36 {offsets = [304, 0], sizes = [8, 2048], strides = [1, 1]} : vector<1024x2048xf32> to vector<8x2048xf32>
    %lt3A_377 = arith.cmpf olt, %slice3A_376, %select_n3A_372 : vector<8x2048xf32>
    %select_n3A_378 = arith.select %lt3A_377, %slice3A_376, %select_n3A_372 : vector<8x2048xi1>, vector<8x2048xf32>
    %jit3A_379 = arith.constant 3.800000e+01 : f32
    %broadcast_in_dim3A_380 = vector.broadcast %jit3A_379 : f32 to vector<8x2048xf32>
    %select_n3A_381 = arith.select %lt3A_377, %broadcast_in_dim3A_380, %select_n3A_375 : vector<8x2048xi1>, vector<8x2048xf32>
    %slice3A_382 = vector.extract_strided_slice %add3A_36 {offsets = [312, 0], sizes = [8, 2048], strides = [1, 1]} : vector<1024x2048xf32> to vector<8x2048xf32>
    %lt3A_383 = arith.cmpf olt, %slice3A_382, %select_n3A_378 : vector<8x2048xf32>
    %select_n3A_384 = arith.select %lt3A_383, %slice3A_382, %select_n3A_378 : vector<8x2048xi1>, vector<8x2048xf32>
    %jit3A_385 = arith.constant 3.900000e+01 : f32
    %broadcast_in_dim3A_386 = vector.broadcast %jit3A_385 : f32 to vector<8x2048xf32>
    %select_n3A_387 = arith.select %lt3A_383, %broadcast_in_dim3A_386, %select_n3A_381 : vector<8x2048xi1>, vector<8x2048xf32>
    %slice3A_388 = vector.extract_strided_slice %add3A_36 {offsets = [320, 0], sizes = [8, 2048], strides = [1, 1]} : vector<1024x2048xf32> to vector<8x2048xf32>
    %lt3A_389 = arith.cmpf olt, %slice3A_388, %select_n3A_384 : vector<8x2048xf32>
    %select_n3A_390 = arith.select %lt3A_389, %slice3A_388, %select_n3A_384 : vector<8x2048xi1>, vector<8x2048xf32>
    %jit3A_391 = arith.constant 4.000000e+01 : f32
    %broadcast_in_dim3A_392 = vector.broadcast %jit3A_391 : f32 to vector<8x2048xf32>
    %select_n3A_393 = arith.select %lt3A_389, %broadcast_in_dim3A_392, %select_n3A_387 : vector<8x2048xi1>, vector<8x2048xf32>
    %slice3A_394 = vector.extract_strided_slice %add3A_36 {offsets = [328, 0], sizes = [8, 2048], strides = [1, 1]} : vector<1024x2048xf32> to vector<8x2048xf32>
    %lt3A_395 = arith.cmpf olt, %slice3A_394, %select_n3A_390 : vector<8x2048xf32>
    %select_n3A_396 = arith.select %lt3A_395, %slice3A_394, %select_n3A_390 : vector<8x2048xi1>, vector<8x2048xf32>
    %jit3A_397 = arith.constant 4.100000e+01 : f32
    %broadcast_in_dim3A_398 = vector.broadcast %jit3A_397 : f32 to vector<8x2048xf32>
    %select_n3A_399 = arith.select %lt3A_395, %broadcast_in_dim3A_398, %select_n3A_393 : vector<8x2048xi1>, vector<8x2048xf32>
    %slice3A_400 = vector.extract_strided_slice %add3A_36 {offsets = [336, 0], sizes = [8, 2048], strides = [1, 1]} : vector<1024x2048xf32> to vector<8x2048xf32>
    %lt3A_401 = arith.cmpf olt, %slice3A_400, %select_n3A_396 : vector<8x2048xf32>
    %select_n3A_402 = arith.select %lt3A_401, %slice3A_400, %select_n3A_396 : vector<8x2048xi1>, vector<8x2048xf32>
    %jit3A_403 = arith.constant 4.200000e+01 : f32
    %broadcast_in_dim3A_404 = vector.broadcast %jit3A_403 : f32 to vector<8x2048xf32>
    %select_n3A_405 = arith.select %lt3A_401, %broadcast_in_dim3A_404, %select_n3A_399 : vector<8x2048xi1>, vector<8x2048xf32>
    %slice3A_406 = vector.extract_strided_slice %add3A_36 {offsets = [344, 0], sizes = [8, 2048], strides = [1, 1]} : vector<1024x2048xf32> to vector<8x2048xf32>
    %lt3A_407 = arith.cmpf olt, %slice3A_406, %select_n3A_402 : vector<8x2048xf32>
    %select_n3A_408 = arith.select %lt3A_407, %slice3A_406, %select_n3A_402 : vector<8x2048xi1>, vector<8x2048xf32>
    %jit3A_409 = arith.constant 4.300000e+01 : f32
    %broadcast_in_dim3A_410 = vector.broadcast %jit3A_409 : f32 to vector<8x2048xf32>
    %select_n3A_411 = arith.select %lt3A_407, %broadcast_in_dim3A_410, %select_n3A_405 : vector<8x2048xi1>, vector<8x2048xf32>
    %slice3A_412 = vector.extract_strided_slice %add3A_36 {offsets = [352, 0], sizes = [8, 2048], strides = [1, 1]} : vector<1024x2048xf32> to vector<8x2048xf32>
    %lt3A_413 = arith.cmpf olt, %slice3A_412, %select_n3A_408 : vector<8x2048xf32>
    %select_n3A_414 = arith.select %lt3A_413, %slice3A_412, %select_n3A_408 : vector<8x2048xi1>, vector<8x2048xf32>
    %jit3A_415 = arith.constant 4.400000e+01 : f32
    %broadcast_in_dim3A_416 = vector.broadcast %jit3A_415 : f32 to vector<8x2048xf32>
    %select_n3A_417 = arith.select %lt3A_413, %broadcast_in_dim3A_416, %select_n3A_411 : vector<8x2048xi1>, vector<8x2048xf32>
    %slice3A_418 = vector.extract_strided_slice %add3A_36 {offsets = [360, 0], sizes = [8, 2048], strides = [1, 1]} : vector<1024x2048xf32> to vector<8x2048xf32>
    %lt3A_419 = arith.cmpf olt, %slice3A_418, %select_n3A_414 : vector<8x2048xf32>
    %select_n3A_420 = arith.select %lt3A_419, %slice3A_418, %select_n3A_414 : vector<8x2048xi1>, vector<8x2048xf32>
    %jit3A_421 = arith.constant 4.500000e+01 : f32
    %broadcast_in_dim3A_422 = vector.broadcast %jit3A_421 : f32 to vector<8x2048xf32>
    %select_n3A_423 = arith.select %lt3A_419, %broadcast_in_dim3A_422, %select_n3A_417 : vector<8x2048xi1>, vector<8x2048xf32>
    %slice3A_424 = vector.extract_strided_slice %add3A_36 {offsets = [368, 0], sizes = [8, 2048], strides = [1, 1]} : vector<1024x2048xf32> to vector<8x2048xf32>
    %lt3A_425 = arith.cmpf olt, %slice3A_424, %select_n3A_420 : vector<8x2048xf32>
    %select_n3A_426 = arith.select %lt3A_425, %slice3A_424, %select_n3A_420 : vector<8x2048xi1>, vector<8x2048xf32>
    %jit3A_427 = arith.constant 4.600000e+01 : f32
    %broadcast_in_dim3A_428 = vector.broadcast %jit3A_427 : f32 to vector<8x2048xf32>
    %select_n3A_429 = arith.select %lt3A_425, %broadcast_in_dim3A_428, %select_n3A_423 : vector<8x2048xi1>, vector<8x2048xf32>
    %slice3A_430 = vector.extract_strided_slice %add3A_36 {offsets = [376, 0], sizes = [8, 2048], strides = [1, 1]} : vector<1024x2048xf32> to vector<8x2048xf32>
    %lt3A_431 = arith.cmpf olt, %slice3A_430, %select_n3A_426 : vector<8x2048xf32>
    %select_n3A_432 = arith.select %lt3A_431, %slice3A_430, %select_n3A_426 : vector<8x2048xi1>, vector<8x2048xf32>
    %jit3A_433 = arith.constant 4.700000e+01 : f32
    %broadcast_in_dim3A_434 = vector.broadcast %jit3A_433 : f32 to vector<8x2048xf32>
    %select_n3A_435 = arith.select %lt3A_431, %broadcast_in_dim3A_434, %select_n3A_429 : vector<8x2048xi1>, vector<8x2048xf32>
    %slice3A_436 = vector.extract_strided_slice %add3A_36 {offsets = [384, 0], sizes = [8, 2048], strides = [1, 1]} : vector<1024x2048xf32> to vector<8x2048xf32>
    %lt3A_437 = arith.cmpf olt, %slice3A_436, %select_n3A_432 : vector<8x2048xf32>
    %select_n3A_438 = arith.select %lt3A_437, %slice3A_436, %select_n3A_432 : vector<8x2048xi1>, vector<8x2048xf32>
    %jit3A_439 = arith.constant 4.800000e+01 : f32
    %broadcast_in_dim3A_440 = vector.broadcast %jit3A_439 : f32 to vector<8x2048xf32>
    %select_n3A_441 = arith.select %lt3A_437, %broadcast_in_dim3A_440, %select_n3A_435 : vector<8x2048xi1>, vector<8x2048xf32>
    %slice3A_442 = vector.extract_strided_slice %add3A_36 {offsets = [392, 0], sizes = [8, 2048], strides = [1, 1]} : vector<1024x2048xf32> to vector<8x2048xf32>
    %lt3A_443 = arith.cmpf olt, %slice3A_442, %select_n3A_438 : vector<8x2048xf32>
    %select_n3A_444 = arith.select %lt3A_443, %slice3A_442, %select_n3A_438 : vector<8x2048xi1>, vector<8x2048xf32>
    %jit3A_445 = arith.constant 4.900000e+01 : f32
    %broadcast_in_dim3A_446 = vector.broadcast %jit3A_445 : f32 to vector<8x2048xf32>
    %select_n3A_447 = arith.select %lt3A_443, %broadcast_in_dim3A_446, %select_n3A_441 : vector<8x2048xi1>, vector<8x2048xf32>
    %slice3A_448 = vector.extract_strided_slice %add3A_36 {offsets = [400, 0], sizes = [8, 2048], strides = [1, 1]} : vector<1024x2048xf32> to vector<8x2048xf32>
    %lt3A_449 = arith.cmpf olt, %slice3A_448, %select_n3A_444 : vector<8x2048xf32>
    %select_n3A_450 = arith.select %lt3A_449, %slice3A_448, %select_n3A_444 : vector<8x2048xi1>, vector<8x2048xf32>
    %jit3A_451 = arith.constant 5.000000e+01 : f32
    %broadcast_in_dim3A_452 = vector.broadcast %jit3A_451 : f32 to vector<8x2048xf32>
    %select_n3A_453 = arith.select %lt3A_449, %broadcast_in_dim3A_452, %select_n3A_447 : vector<8x2048xi1>, vector<8x2048xf32>
    %slice3A_454 = vector.extract_strided_slice %add3A_36 {offsets = [408, 0], sizes = [8, 2048], strides = [1, 1]} : vector<1024x2048xf32> to vector<8x2048xf32>
    %lt3A_455 = arith.cmpf olt, %slice3A_454, %select_n3A_450 : vector<8x2048xf32>
    %select_n3A_456 = arith.select %lt3A_455, %slice3A_454, %select_n3A_450 : vector<8x2048xi1>, vector<8x2048xf32>
    %jit3A_457 = arith.constant 5.100000e+01 : f32
    %broadcast_in_dim3A_458 = vector.broadcast %jit3A_457 : f32 to vector<8x2048xf32>
    %select_n3A_459 = arith.select %lt3A_455, %broadcast_in_dim3A_458, %select_n3A_453 : vector<8x2048xi1>, vector<8x2048xf32>
    %slice3A_460 = vector.extract_strided_slice %add3A_36 {offsets = [416, 0], sizes = [8, 2048], strides = [1, 1]} : vector<1024x2048xf32> to vector<8x2048xf32>
    %lt3A_461 = arith.cmpf olt, %slice3A_460, %select_n3A_456 : vector<8x2048xf32>
    %select_n3A_462 = arith.select %lt3A_461, %slice3A_460, %select_n3A_456 : vector<8x2048xi1>, vector<8x2048xf32>
    %jit3A_463 = arith.constant 5.200000e+01 : f32
    %broadcast_in_dim3A_464 = vector.broadcast %jit3A_463 : f32 to vector<8x2048xf32>
    %select_n3A_465 = arith.select %lt3A_461, %broadcast_in_dim3A_464, %select_n3A_459 : vector<8x2048xi1>, vector<8x2048xf32>
    %slice3A_466 = vector.extract_strided_slice %add3A_36 {offsets = [424, 0], sizes = [8, 2048], strides = [1, 1]} : vector<1024x2048xf32> to vector<8x2048xf32>
    %lt3A_467 = arith.cmpf olt, %slice3A_466, %select_n3A_462 : vector<8x2048xf32>
    %select_n3A_468 = arith.select %lt3A_467, %slice3A_466, %select_n3A_462 : vector<8x2048xi1>, vector<8x2048xf32>
    %jit3A_469 = arith.constant 5.300000e+01 : f32
    %broadcast_in_dim3A_470 = vector.broadcast %jit3A_469 : f32 to vector<8x2048xf32>
    %select_n3A_471 = arith.select %lt3A_467, %broadcast_in_dim3A_470, %select_n3A_465 : vector<8x2048xi1>, vector<8x2048xf32>
    %slice3A_472 = vector.extract_strided_slice %add3A_36 {offsets = [432, 0], sizes = [8, 2048], strides = [1, 1]} : vector<1024x2048xf32> to vector<8x2048xf32>
    %lt3A_473 = arith.cmpf olt, %slice3A_472, %select_n3A_468 : vector<8x2048xf32>
    %select_n3A_474 = arith.select %lt3A_473, %slice3A_472, %select_n3A_468 : vector<8x2048xi1>, vector<8x2048xf32>
    %jit3A_475 = arith.constant 5.400000e+01 : f32
    %broadcast_in_dim3A_476 = vector.broadcast %jit3A_475 : f32 to vector<8x2048xf32>
    %select_n3A_477 = arith.select %lt3A_473, %broadcast_in_dim3A_476, %select_n3A_471 : vector<8x2048xi1>, vector<8x2048xf32>
    %slice3A_478 = vector.extract_strided_slice %add3A_36 {offsets = [440, 0], sizes = [8, 2048], strides = [1, 1]} : vector<1024x2048xf32> to vector<8x2048xf32>
    %lt3A_479 = arith.cmpf olt, %slice3A_478, %select_n3A_474 : vector<8x2048xf32>
    %select_n3A_480 = arith.select %lt3A_479, %slice3A_478, %select_n3A_474 : vector<8x2048xi1>, vector<8x2048xf32>
    %jit3A_481 = arith.constant 5.500000e+01 : f32
    %broadcast_in_dim3A_482 = vector.broadcast %jit3A_481 : f32 to vector<8x2048xf32>
    %select_n3A_483 = arith.select %lt3A_479, %broadcast_in_dim3A_482, %select_n3A_477 : vector<8x2048xi1>, vector<8x2048xf32>
    %slice3A_484 = vector.extract_strided_slice %add3A_36 {offsets = [448, 0], sizes = [8, 2048], strides = [1, 1]} : vector<1024x2048xf32> to vector<8x2048xf32>
    %lt3A_485 = arith.cmpf olt, %slice3A_484, %select_n3A_480 : vector<8x2048xf32>
    %select_n3A_486 = arith.select %lt3A_485, %slice3A_484, %select_n3A_480 : vector<8x2048xi1>, vector<8x2048xf32>
    %jit3A_487 = arith.constant 5.600000e+01 : f32
    %broadcast_in_dim3A_488 = vector.broadcast %jit3A_487 : f32 to vector<8x2048xf32>
    %select_n3A_489 = arith.select %lt3A_485, %broadcast_in_dim3A_488, %select_n3A_483 : vector<8x2048xi1>, vector<8x2048xf32>
    %slice3A_490 = vector.extract_strided_slice %add3A_36 {offsets = [456, 0], sizes = [8, 2048], strides = [1, 1]} : vector<1024x2048xf32> to vector<8x2048xf32>
    %lt3A_491 = arith.cmpf olt, %slice3A_490, %select_n3A_486 : vector<8x2048xf32>
    %select_n3A_492 = arith.select %lt3A_491, %slice3A_490, %select_n3A_486 : vector<8x2048xi1>, vector<8x2048xf32>
    %jit3A_493 = arith.constant 5.700000e+01 : f32
    %broadcast_in_dim3A_494 = vector.broadcast %jit3A_493 : f32 to vector<8x2048xf32>
    %select_n3A_495 = arith.select %lt3A_491, %broadcast_in_dim3A_494, %select_n3A_489 : vector<8x2048xi1>, vector<8x2048xf32>
    %slice3A_496 = vector.extract_strided_slice %add3A_36 {offsets = [464, 0], sizes = [8, 2048], strides = [1, 1]} : vector<1024x2048xf32> to vector<8x2048xf32>
    %lt3A_497 = arith.cmpf olt, %slice3A_496, %select_n3A_492 : vector<8x2048xf32>
    %select_n3A_498 = arith.select %lt3A_497, %slice3A_496, %select_n3A_492 : vector<8x2048xi1>, vector<8x2048xf32>
    %jit3A_499 = arith.constant 5.800000e+01 : f32
    %broadcast_in_dim3A_500 = vector.broadcast %jit3A_499 : f32 to vector<8x2048xf32>
    %select_n3A_501 = arith.select %lt3A_497, %broadcast_in_dim3A_500, %select_n3A_495 : vector<8x2048xi1>, vector<8x2048xf32>
    %slice3A_502 = vector.extract_strided_slice %add3A_36 {offsets = [472, 0], sizes = [8, 2048], strides = [1, 1]} : vector<1024x2048xf32> to vector<8x2048xf32>
    %lt3A_503 = arith.cmpf olt, %slice3A_502, %select_n3A_498 : vector<8x2048xf32>
    %select_n3A_504 = arith.select %lt3A_503, %slice3A_502, %select_n3A_498 : vector<8x2048xi1>, vector<8x2048xf32>
    %jit3A_505 = arith.constant 5.900000e+01 : f32
    %broadcast_in_dim3A_506 = vector.broadcast %jit3A_505 : f32 to vector<8x2048xf32>
    %select_n3A_507 = arith.select %lt3A_503, %broadcast_in_dim3A_506, %select_n3A_501 : vector<8x2048xi1>, vector<8x2048xf32>
    %slice3A_508 = vector.extract_strided_slice %add3A_36 {offsets = [480, 0], sizes = [8, 2048], strides = [1, 1]} : vector<1024x2048xf32> to vector<8x2048xf32>
    %lt3A_509 = arith.cmpf olt, %slice3A_508, %select_n3A_504 : vector<8x2048xf32>
    %select_n3A_510 = arith.select %lt3A_509, %slice3A_508, %select_n3A_504 : vector<8x2048xi1>, vector<8x2048xf32>
    %jit3A_511 = arith.constant 6.000000e+01 : f32
    %broadcast_in_dim3A_512 = vector.broadcast %jit3A_511 : f32 to vector<8x2048xf32>
    %select_n3A_513 = arith.select %lt3A_509, %broadcast_in_dim3A_512, %select_n3A_507 : vector<8x2048xi1>, vector<8x2048xf32>
    %slice3A_514 = vector.extract_strided_slice %add3A_36 {offsets = [488, 0], sizes = [8, 2048], strides = [1, 1]} : vector<1024x2048xf32> to vector<8x2048xf32>
    %lt3A_515 = arith.cmpf olt, %slice3A_514, %select_n3A_510 : vector<8x2048xf32>
    %select_n3A_516 = arith.select %lt3A_515, %slice3A_514, %select_n3A_510 : vector<8x2048xi1>, vector<8x2048xf32>
    %jit3A_517 = arith.constant 6.100000e+01 : f32
    %broadcast_in_dim3A_518 = vector.broadcast %jit3A_517 : f32 to vector<8x2048xf32>
    %select_n3A_519 = arith.select %lt3A_515, %broadcast_in_dim3A_518, %select_n3A_513 : vector<8x2048xi1>, vector<8x2048xf32>
    %slice3A_520 = vector.extract_strided_slice %add3A_36 {offsets = [496, 0], sizes = [8, 2048], strides = [1, 1]} : vector<1024x2048xf32> to vector<8x2048xf32>
    %lt3A_521 = arith.cmpf olt, %slice3A_520, %select_n3A_516 : vector<8x2048xf32>
    %select_n3A_522 = arith.select %lt3A_521, %slice3A_520, %select_n3A_516 : vector<8x2048xi1>, vector<8x2048xf32>
    %jit3A_523 = arith.constant 6.200000e+01 : f32
    %broadcast_in_dim3A_524 = vector.broadcast %jit3A_523 : f32 to vector<8x2048xf32>
    %select_n3A_525 = arith.select %lt3A_521, %broadcast_in_dim3A_524, %select_n3A_519 : vector<8x2048xi1>, vector<8x2048xf32>
    %slice3A_526 = vector.extract_strided_slice %add3A_36 {offsets = [504, 0], sizes = [8, 2048], strides = [1, 1]} : vector<1024x2048xf32> to vector<8x2048xf32>
    %lt3A_527 = arith.cmpf olt, %slice3A_526, %select_n3A_522 : vector<8x2048xf32>
    %select_n3A_528 = arith.select %lt3A_527, %slice3A_526, %select_n3A_522 : vector<8x2048xi1>, vector<8x2048xf32>
    %jit3A_529 = arith.constant 6.300000e+01 : f32
    %broadcast_in_dim3A_530 = vector.broadcast %jit3A_529 : f32 to vector<8x2048xf32>
    %select_n3A_531 = arith.select %lt3A_527, %broadcast_in_dim3A_530, %select_n3A_525 : vector<8x2048xi1>, vector<8x2048xf32>
    %slice3A_532 = vector.extract_strided_slice %add3A_36 {offsets = [512, 0], sizes = [8, 2048], strides = [1, 1]} : vector<1024x2048xf32> to vector<8x2048xf32>
    %lt3A_533 = arith.cmpf olt, %slice3A_532, %select_n3A_528 : vector<8x2048xf32>
    %select_n3A_534 = arith.select %lt3A_533, %slice3A_532, %select_n3A_528 : vector<8x2048xi1>, vector<8x2048xf32>
    %jit3A_535 = arith.constant 6.400000e+01 : f32
    %broadcast_in_dim3A_536 = vector.broadcast %jit3A_535 : f32 to vector<8x2048xf32>
    %select_n3A_537 = arith.select %lt3A_533, %broadcast_in_dim3A_536, %select_n3A_531 : vector<8x2048xi1>, vector<8x2048xf32>
    %slice3A_538 = vector.extract_strided_slice %add3A_36 {offsets = [520, 0], sizes = [8, 2048], strides = [1, 1]} : vector<1024x2048xf32> to vector<8x2048xf32>
    %lt3A_539 = arith.cmpf olt, %slice3A_538, %select_n3A_534 : vector<8x2048xf32>
    %select_n3A_540 = arith.select %lt3A_539, %slice3A_538, %select_n3A_534 : vector<8x2048xi1>, vector<8x2048xf32>
    %jit3A_541 = arith.constant 6.500000e+01 : f32
    %broadcast_in_dim3A_542 = vector.broadcast %jit3A_541 : f32 to vector<8x2048xf32>
    %select_n3A_543 = arith.select %lt3A_539, %broadcast_in_dim3A_542, %select_n3A_537 : vector<8x2048xi1>, vector<8x2048xf32>
    %slice3A_544 = vector.extract_strided_slice %add3A_36 {offsets = [528, 0], sizes = [8, 2048], strides = [1, 1]} : vector<1024x2048xf32> to vector<8x2048xf32>
    %lt3A_545 = arith.cmpf olt, %slice3A_544, %select_n3A_540 : vector<8x2048xf32>
    %select_n3A_546 = arith.select %lt3A_545, %slice3A_544, %select_n3A_540 : vector<8x2048xi1>, vector<8x2048xf32>
    %jit3A_547 = arith.constant 6.600000e+01 : f32
    %broadcast_in_dim3A_548 = vector.broadcast %jit3A_547 : f32 to vector<8x2048xf32>
    %select_n3A_549 = arith.select %lt3A_545, %broadcast_in_dim3A_548, %select_n3A_543 : vector<8x2048xi1>, vector<8x2048xf32>
    %slice3A_550 = vector.extract_strided_slice %add3A_36 {offsets = [536, 0], sizes = [8, 2048], strides = [1, 1]} : vector<1024x2048xf32> to vector<8x2048xf32>
    %lt3A_551 = arith.cmpf olt, %slice3A_550, %select_n3A_546 : vector<8x2048xf32>
    %select_n3A_552 = arith.select %lt3A_551, %slice3A_550, %select_n3A_546 : vector<8x2048xi1>, vector<8x2048xf32>
    %jit3A_553 = arith.constant 6.700000e+01 : f32
    %broadcast_in_dim3A_554 = vector.broadcast %jit3A_553 : f32 to vector<8x2048xf32>
    %select_n3A_555 = arith.select %lt3A_551, %broadcast_in_dim3A_554, %select_n3A_549 : vector<8x2048xi1>, vector<8x2048xf32>
    %slice3A_556 = vector.extract_strided_slice %add3A_36 {offsets = [544, 0], sizes = [8, 2048], strides = [1, 1]} : vector<1024x2048xf32> to vector<8x2048xf32>
    %lt3A_557 = arith.cmpf olt, %slice3A_556, %select_n3A_552 : vector<8x2048xf32>
    %select_n3A_558 = arith.select %lt3A_557, %slice3A_556, %select_n3A_552 : vector<8x2048xi1>, vector<8x2048xf32>
    %jit3A_559 = arith.constant 6.800000e+01 : f32
    %broadcast_in_dim3A_560 = vector.broadcast %jit3A_559 : f32 to vector<8x2048xf32>
    %select_n3A_561 = arith.select %lt3A_557, %broadcast_in_dim3A_560, %select_n3A_555 : vector<8x2048xi1>, vector<8x2048xf32>
    %slice3A_562 = vector.extract_strided_slice %add3A_36 {offsets = [552, 0], sizes = [8, 2048], strides = [1, 1]} : vector<1024x2048xf32> to vector<8x2048xf32>
    %lt3A_563 = arith.cmpf olt, %slice3A_562, %select_n3A_558 : vector<8x2048xf32>
    %select_n3A_564 = arith.select %lt3A_563, %slice3A_562, %select_n3A_558 : vector<8x2048xi1>, vector<8x2048xf32>
    %jit3A_565 = arith.constant 6.900000e+01 : f32
    %broadcast_in_dim3A_566 = vector.broadcast %jit3A_565 : f32 to vector<8x2048xf32>
    %select_n3A_567 = arith.select %lt3A_563, %broadcast_in_dim3A_566, %select_n3A_561 : vector<8x2048xi1>, vector<8x2048xf32>
    %slice3A_568 = vector.extract_strided_slice %add3A_36 {offsets = [560, 0], sizes = [8, 2048], strides = [1, 1]} : vector<1024x2048xf32> to vector<8x2048xf32>
    %lt3A_569 = arith.cmpf olt, %slice3A_568, %select_n3A_564 : vector<8x2048xf32>
    %select_n3A_570 = arith.select %lt3A_569, %slice3A_568, %select_n3A_564 : vector<8x2048xi1>, vector<8x2048xf32>
    %jit3A_571 = arith.constant 7.000000e+01 : f32
    %broadcast_in_dim3A_572 = vector.broadcast %jit3A_571 : f32 to vector<8x2048xf32>
    %select_n3A_573 = arith.select %lt3A_569, %broadcast_in_dim3A_572, %select_n3A_567 : vector<8x2048xi1>, vector<8x2048xf32>
    %slice3A_574 = vector.extract_strided_slice %add3A_36 {offsets = [568, 0], sizes = [8, 2048], strides = [1, 1]} : vector<1024x2048xf32> to vector<8x2048xf32>
    %lt3A_575 = arith.cmpf olt, %slice3A_574, %select_n3A_570 : vector<8x2048xf32>
    %select_n3A_576 = arith.select %lt3A_575, %slice3A_574, %select_n3A_570 : vector<8x2048xi1>, vector<8x2048xf32>
    %jit3A_577 = arith.constant 7.100000e+01 : f32
    %broadcast_in_dim3A_578 = vector.broadcast %jit3A_577 : f32 to vector<8x2048xf32>
    %select_n3A_579 = arith.select %lt3A_575, %broadcast_in_dim3A_578, %select_n3A_573 : vector<8x2048xi1>, vector<8x2048xf32>
    %slice3A_580 = vector.extract_strided_slice %add3A_36 {offsets = [576, 0], sizes = [8, 2048], strides = [1, 1]} : vector<1024x2048xf32> to vector<8x2048xf32>
    %lt3A_581 = arith.cmpf olt, %slice3A_580, %select_n3A_576 : vector<8x2048xf32>
    %select_n3A_582 = arith.select %lt3A_581, %slice3A_580, %select_n3A_576 : vector<8x2048xi1>, vector<8x2048xf32>
    %jit3A_583 = arith.constant 7.200000e+01 : f32
    %broadcast_in_dim3A_584 = vector.broadcast %jit3A_583 : f32 to vector<8x2048xf32>
    %select_n3A_585 = arith.select %lt3A_581, %broadcast_in_dim3A_584, %select_n3A_579 : vector<8x2048xi1>, vector<8x2048xf32>
    %slice3A_586 = vector.extract_strided_slice %add3A_36 {offsets = [584, 0], sizes = [8, 2048], strides = [1, 1]} : vector<1024x2048xf32> to vector<8x2048xf32>
    %lt3A_587 = arith.cmpf olt, %slice3A_586, %select_n3A_582 : vector<8x2048xf32>
    %select_n3A_588 = arith.select %lt3A_587, %slice3A_586, %select_n3A_582 : vector<8x2048xi1>, vector<8x2048xf32>
    %jit3A_589 = arith.constant 7.300000e+01 : f32
    %broadcast_in_dim3A_590 = vector.broadcast %jit3A_589 : f32 to vector<8x2048xf32>
    %select_n3A_591 = arith.select %lt3A_587, %broadcast_in_dim3A_590, %select_n3A_585 : vector<8x2048xi1>, vector<8x2048xf32>
    %slice3A_592 = vector.extract_strided_slice %add3A_36 {offsets = [592, 0], sizes = [8, 2048], strides = [1, 1]} : vector<1024x2048xf32> to vector<8x2048xf32>
    %lt3A_593 = arith.cmpf olt, %slice3A_592, %select_n3A_588 : vector<8x2048xf32>
    %select_n3A_594 = arith.select %lt3A_593, %slice3A_592, %select_n3A_588 : vector<8x2048xi1>, vector<8x2048xf32>
    %jit3A_595 = arith.constant 7.400000e+01 : f32
    %broadcast_in_dim3A_596 = vector.broadcast %jit3A_595 : f32 to vector<8x2048xf32>
    %select_n3A_597 = arith.select %lt3A_593, %broadcast_in_dim3A_596, %select_n3A_591 : vector<8x2048xi1>, vector<8x2048xf32>
    %slice3A_598 = vector.extract_strided_slice %add3A_36 {offsets = [600, 0], sizes = [8, 2048], strides = [1, 1]} : vector<1024x2048xf32> to vector<8x2048xf32>
    %lt3A_599 = arith.cmpf olt, %slice3A_598, %select_n3A_594 : vector<8x2048xf32>
    %select_n3A_600 = arith.select %lt3A_599, %slice3A_598, %select_n3A_594 : vector<8x2048xi1>, vector<8x2048xf32>
    %jit3A_601 = arith.constant 7.500000e+01 : f32
    %broadcast_in_dim3A_602 = vector.broadcast %jit3A_601 : f32 to vector<8x2048xf32>
    %select_n3A_603 = arith.select %lt3A_599, %broadcast_in_dim3A_602, %select_n3A_597 : vector<8x2048xi1>, vector<8x2048xf32>
    %slice3A_604 = vector.extract_strided_slice %add3A_36 {offsets = [608, 0], sizes = [8, 2048], strides = [1, 1]} : vector<1024x2048xf32> to vector<8x2048xf32>
    %lt3A_605 = arith.cmpf olt, %slice3A_604, %select_n3A_600 : vector<8x2048xf32>
    %select_n3A_606 = arith.select %lt3A_605, %slice3A_604, %select_n3A_600 : vector<8x2048xi1>, vector<8x2048xf32>
    %jit3A_607 = arith.constant 7.600000e+01 : f32
    %broadcast_in_dim3A_608 = vector.broadcast %jit3A_607 : f32 to vector<8x2048xf32>
    %select_n3A_609 = arith.select %lt3A_605, %broadcast_in_dim3A_608, %select_n3A_603 : vector<8x2048xi1>, vector<8x2048xf32>
    %slice3A_610 = vector.extract_strided_slice %add3A_36 {offsets = [616, 0], sizes = [8, 2048], strides = [1, 1]} : vector<1024x2048xf32> to vector<8x2048xf32>
    %lt3A_611 = arith.cmpf olt, %slice3A_610, %select_n3A_606 : vector<8x2048xf32>
    %select_n3A_612 = arith.select %lt3A_611, %slice3A_610, %select_n3A_606 : vector<8x2048xi1>, vector<8x2048xf32>
    %jit3A_613 = arith.constant 7.700000e+01 : f32
    %broadcast_in_dim3A_614 = vector.broadcast %jit3A_613 : f32 to vector<8x2048xf32>
    %select_n3A_615 = arith.select %lt3A_611, %broadcast_in_dim3A_614, %select_n3A_609 : vector<8x2048xi1>, vector<8x2048xf32>
    %slice3A_616 = vector.extract_strided_slice %add3A_36 {offsets = [624, 0], sizes = [8, 2048], strides = [1, 1]} : vector<1024x2048xf32> to vector<8x2048xf32>
    %lt3A_617 = arith.cmpf olt, %slice3A_616, %select_n3A_612 : vector<8x2048xf32>
    %select_n3A_618 = arith.select %lt3A_617, %slice3A_616, %select_n3A_612 : vector<8x2048xi1>, vector<8x2048xf32>
    %jit3A_619 = arith.constant 7.800000e+01 : f32
    %broadcast_in_dim3A_620 = vector.broadcast %jit3A_619 : f32 to vector<8x2048xf32>
    %select_n3A_621 = arith.select %lt3A_617, %broadcast_in_dim3A_620, %select_n3A_615 : vector<8x2048xi1>, vector<8x2048xf32>
    %slice3A_622 = vector.extract_strided_slice %add3A_36 {offsets = [632, 0], sizes = [8, 2048], strides = [1, 1]} : vector<1024x2048xf32> to vector<8x2048xf32>
    %lt3A_623 = arith.cmpf olt, %slice3A_622, %select_n3A_618 : vector<8x2048xf32>
    %select_n3A_624 = arith.select %lt3A_623, %slice3A_622, %select_n3A_618 : vector<8x2048xi1>, vector<8x2048xf32>
    %jit3A_625 = arith.constant 7.900000e+01 : f32
    %broadcast_in_dim3A_626 = vector.broadcast %jit3A_625 : f32 to vector<8x2048xf32>
    %select_n3A_627 = arith.select %lt3A_623, %broadcast_in_dim3A_626, %select_n3A_621 : vector<8x2048xi1>, vector<8x2048xf32>
    %slice3A_628 = vector.extract_strided_slice %add3A_36 {offsets = [640, 0], sizes = [8, 2048], strides = [1, 1]} : vector<1024x2048xf32> to vector<8x2048xf32>
    %lt3A_629 = arith.cmpf olt, %slice3A_628, %select_n3A_624 : vector<8x2048xf32>
    %select_n3A_630 = arith.select %lt3A_629, %slice3A_628, %select_n3A_624 : vector<8x2048xi1>, vector<8x2048xf32>
    %jit3A_631 = arith.constant 8.000000e+01 : f32
    %broadcast_in_dim3A_632 = vector.broadcast %jit3A_631 : f32 to vector<8x2048xf32>
    %select_n3A_633 = arith.select %lt3A_629, %broadcast_in_dim3A_632, %select_n3A_627 : vector<8x2048xi1>, vector<8x2048xf32>
    %slice3A_634 = vector.extract_strided_slice %add3A_36 {offsets = [648, 0], sizes = [8, 2048], strides = [1, 1]} : vector<1024x2048xf32> to vector<8x2048xf32>
    %lt3A_635 = arith.cmpf olt, %slice3A_634, %select_n3A_630 : vector<8x2048xf32>
    %select_n3A_636 = arith.select %lt3A_635, %slice3A_634, %select_n3A_630 : vector<8x2048xi1>, vector<8x2048xf32>
    %jit3A_637 = arith.constant 8.100000e+01 : f32
    %broadcast_in_dim3A_638 = vector.broadcast %jit3A_637 : f32 to vector<8x2048xf32>
    %select_n3A_639 = arith.select %lt3A_635, %broadcast_in_dim3A_638, %select_n3A_633 : vector<8x2048xi1>, vector<8x2048xf32>
    %slice3A_640 = vector.extract_strided_slice %add3A_36 {offsets = [656, 0], sizes = [8, 2048], strides = [1, 1]} : vector<1024x2048xf32> to vector<8x2048xf32>
    %lt3A_641 = arith.cmpf olt, %slice3A_640, %select_n3A_636 : vector<8x2048xf32>
    %select_n3A_642 = arith.select %lt3A_641, %slice3A_640, %select_n3A_636 : vector<8x2048xi1>, vector<8x2048xf32>
    %jit3A_643 = arith.constant 8.200000e+01 : f32
    %broadcast_in_dim3A_644 = vector.broadcast %jit3A_643 : f32 to vector<8x2048xf32>
    %select_n3A_645 = arith.select %lt3A_641, %broadcast_in_dim3A_644, %select_n3A_639 : vector<8x2048xi1>, vector<8x2048xf32>
    %slice3A_646 = vector.extract_strided_slice %add3A_36 {offsets = [664, 0], sizes = [8, 2048], strides = [1, 1]} : vector<1024x2048xf32> to vector<8x2048xf32>
    %lt3A_647 = arith.cmpf olt, %slice3A_646, %select_n3A_642 : vector<8x2048xf32>
    %select_n3A_648 = arith.select %lt3A_647, %slice3A_646, %select_n3A_642 : vector<8x2048xi1>, vector<8x2048xf32>
    %jit3A_649 = arith.constant 8.300000e+01 : f32
    %broadcast_in_dim3A_650 = vector.broadcast %jit3A_649 : f32 to vector<8x2048xf32>
    %select_n3A_651 = arith.select %lt3A_647, %broadcast_in_dim3A_650, %select_n3A_645 : vector<8x2048xi1>, vector<8x2048xf32>
    %slice3A_652 = vector.extract_strided_slice %add3A_36 {offsets = [672, 0], sizes = [8, 2048], strides = [1, 1]} : vector<1024x2048xf32> to vector<8x2048xf32>
    %lt3A_653 = arith.cmpf olt, %slice3A_652, %select_n3A_648 : vector<8x2048xf32>
    %select_n3A_654 = arith.select %lt3A_653, %slice3A_652, %select_n3A_648 : vector<8x2048xi1>, vector<8x2048xf32>
    %jit3A_655 = arith.constant 8.400000e+01 : f32
    %broadcast_in_dim3A_656 = vector.broadcast %jit3A_655 : f32 to vector<8x2048xf32>
    %select_n3A_657 = arith.select %lt3A_653, %broadcast_in_dim3A_656, %select_n3A_651 : vector<8x2048xi1>, vector<8x2048xf32>
    %slice3A_658 = vector.extract_strided_slice %add3A_36 {offsets = [680, 0], sizes = [8, 2048], strides = [1, 1]} : vector<1024x2048xf32> to vector<8x2048xf32>
    %lt3A_659 = arith.cmpf olt, %slice3A_658, %select_n3A_654 : vector<8x2048xf32>
    %select_n3A_660 = arith.select %lt3A_659, %slice3A_658, %select_n3A_654 : vector<8x2048xi1>, vector<8x2048xf32>
    %jit3A_661 = arith.constant 8.500000e+01 : f32
    %broadcast_in_dim3A_662 = vector.broadcast %jit3A_661 : f32 to vector<8x2048xf32>
    %select_n3A_663 = arith.select %lt3A_659, %broadcast_in_dim3A_662, %select_n3A_657 : vector<8x2048xi1>, vector<8x2048xf32>
    %slice3A_664 = vector.extract_strided_slice %add3A_36 {offsets = [688, 0], sizes = [8, 2048], strides = [1, 1]} : vector<1024x2048xf32> to vector<8x2048xf32>
    %lt3A_665 = arith.cmpf olt, %slice3A_664, %select_n3A_660 : vector<8x2048xf32>
    %select_n3A_666 = arith.select %lt3A_665, %slice3A_664, %select_n3A_660 : vector<8x2048xi1>, vector<8x2048xf32>
    %jit3A_667 = arith.constant 8.600000e+01 : f32
    %broadcast_in_dim3A_668 = vector.broadcast %jit3A_667 : f32 to vector<8x2048xf32>
    %select_n3A_669 = arith.select %lt3A_665, %broadcast_in_dim3A_668, %select_n3A_663 : vector<8x2048xi1>, vector<8x2048xf32>
    %slice3A_670 = vector.extract_strided_slice %add3A_36 {offsets = [696, 0], sizes = [8, 2048], strides = [1, 1]} : vector<1024x2048xf32> to vector<8x2048xf32>
    %lt3A_671 = arith.cmpf olt, %slice3A_670, %select_n3A_666 : vector<8x2048xf32>
    %select_n3A_672 = arith.select %lt3A_671, %slice3A_670, %select_n3A_666 : vector<8x2048xi1>, vector<8x2048xf32>
    %jit3A_673 = arith.constant 8.700000e+01 : f32
    %broadcast_in_dim3A_674 = vector.broadcast %jit3A_673 : f32 to vector<8x2048xf32>
    %select_n3A_675 = arith.select %lt3A_671, %broadcast_in_dim3A_674, %select_n3A_669 : vector<8x2048xi1>, vector<8x2048xf32>
    %slice3A_676 = vector.extract_strided_slice %add3A_36 {offsets = [704, 0], sizes = [8, 2048], strides = [1, 1]} : vector<1024x2048xf32> to vector<8x2048xf32>
    %lt3A_677 = arith.cmpf olt, %slice3A_676, %select_n3A_672 : vector<8x2048xf32>
    %select_n3A_678 = arith.select %lt3A_677, %slice3A_676, %select_n3A_672 : vector<8x2048xi1>, vector<8x2048xf32>
    %jit3A_679 = arith.constant 8.800000e+01 : f32
    %broadcast_in_dim3A_680 = vector.broadcast %jit3A_679 : f32 to vector<8x2048xf32>
    %select_n3A_681 = arith.select %lt3A_677, %broadcast_in_dim3A_680, %select_n3A_675 : vector<8x2048xi1>, vector<8x2048xf32>
    %slice3A_682 = vector.extract_strided_slice %add3A_36 {offsets = [712, 0], sizes = [8, 2048], strides = [1, 1]} : vector<1024x2048xf32> to vector<8x2048xf32>
    %lt3A_683 = arith.cmpf olt, %slice3A_682, %select_n3A_678 : vector<8x2048xf32>
    %select_n3A_684 = arith.select %lt3A_683, %slice3A_682, %select_n3A_678 : vector<8x2048xi1>, vector<8x2048xf32>
    %jit3A_685 = arith.constant 8.900000e+01 : f32
    %broadcast_in_dim3A_686 = vector.broadcast %jit3A_685 : f32 to vector<8x2048xf32>
    %select_n3A_687 = arith.select %lt3A_683, %broadcast_in_dim3A_686, %select_n3A_681 : vector<8x2048xi1>, vector<8x2048xf32>
    %slice3A_688 = vector.extract_strided_slice %add3A_36 {offsets = [720, 0], sizes = [8, 2048], strides = [1, 1]} : vector<1024x2048xf32> to vector<8x2048xf32>
    %lt3A_689 = arith.cmpf olt, %slice3A_688, %select_n3A_684 : vector<8x2048xf32>
    %select_n3A_690 = arith.select %lt3A_689, %slice3A_688, %select_n3A_684 : vector<8x2048xi1>, vector<8x2048xf32>
    %jit3A_691 = arith.constant 9.000000e+01 : f32
    %broadcast_in_dim3A_692 = vector.broadcast %jit3A_691 : f32 to vector<8x2048xf32>
    %select_n3A_693 = arith.select %lt3A_689, %broadcast_in_dim3A_692, %select_n3A_687 : vector<8x2048xi1>, vector<8x2048xf32>
    %slice3A_694 = vector.extract_strided_slice %add3A_36 {offsets = [728, 0], sizes = [8, 2048], strides = [1, 1]} : vector<1024x2048xf32> to vector<8x2048xf32>
    %lt3A_695 = arith.cmpf olt, %slice3A_694, %select_n3A_690 : vector<8x2048xf32>
    %select_n3A_696 = arith.select %lt3A_695, %slice3A_694, %select_n3A_690 : vector<8x2048xi1>, vector<8x2048xf32>
    %jit3A_697 = arith.constant 9.100000e+01 : f32
    %broadcast_in_dim3A_698 = vector.broadcast %jit3A_697 : f32 to vector<8x2048xf32>
    %select_n3A_699 = arith.select %lt3A_695, %broadcast_in_dim3A_698, %select_n3A_693 : vector<8x2048xi1>, vector<8x2048xf32>
    %slice3A_700 = vector.extract_strided_slice %add3A_36 {offsets = [736, 0], sizes = [8, 2048], strides = [1, 1]} : vector<1024x2048xf32> to vector<8x2048xf32>
    %lt3A_701 = arith.cmpf olt, %slice3A_700, %select_n3A_696 : vector<8x2048xf32>
    %select_n3A_702 = arith.select %lt3A_701, %slice3A_700, %select_n3A_696 : vector<8x2048xi1>, vector<8x2048xf32>
    %jit3A_703 = arith.constant 9.200000e+01 : f32
    %broadcast_in_dim3A_704 = vector.broadcast %jit3A_703 : f32 to vector<8x2048xf32>
    %select_n3A_705 = arith.select %lt3A_701, %broadcast_in_dim3A_704, %select_n3A_699 : vector<8x2048xi1>, vector<8x2048xf32>
    %slice3A_706 = vector.extract_strided_slice %add3A_36 {offsets = [744, 0], sizes = [8, 2048], strides = [1, 1]} : vector<1024x2048xf32> to vector<8x2048xf32>
    %lt3A_707 = arith.cmpf olt, %slice3A_706, %select_n3A_702 : vector<8x2048xf32>
    %select_n3A_708 = arith.select %lt3A_707, %slice3A_706, %select_n3A_702 : vector<8x2048xi1>, vector<8x2048xf32>
    %jit3A_709 = arith.constant 9.300000e+01 : f32
    %broadcast_in_dim3A_710 = vector.broadcast %jit3A_709 : f32 to vector<8x2048xf32>
    %select_n3A_711 = arith.select %lt3A_707, %broadcast_in_dim3A_710, %select_n3A_705 : vector<8x2048xi1>, vector<8x2048xf32>
    %slice3A_712 = vector.extract_strided_slice %add3A_36 {offsets = [752, 0], sizes = [8, 2048], strides = [1, 1]} : vector<1024x2048xf32> to vector<8x2048xf32>
    %lt3A_713 = arith.cmpf olt, %slice3A_712, %select_n3A_708 : vector<8x2048xf32>
    %select_n3A_714 = arith.select %lt3A_713, %slice3A_712, %select_n3A_708 : vector<8x2048xi1>, vector<8x2048xf32>
    %jit3A_715 = arith.constant 9.400000e+01 : f32
    %broadcast_in_dim3A_716 = vector.broadcast %jit3A_715 : f32 to vector<8x2048xf32>
    %select_n3A_717 = arith.select %lt3A_713, %broadcast_in_dim3A_716, %select_n3A_711 : vector<8x2048xi1>, vector<8x2048xf32>
    %slice3A_718 = vector.extract_strided_slice %add3A_36 {offsets = [760, 0], sizes = [8, 2048], strides = [1, 1]} : vector<1024x2048xf32> to vector<8x2048xf32>
    %lt3A_719 = arith.cmpf olt, %slice3A_718, %select_n3A_714 : vector<8x2048xf32>
    %select_n3A_720 = arith.select %lt3A_719, %slice3A_718, %select_n3A_714 : vector<8x2048xi1>, vector<8x2048xf32>
    %jit3A_721 = arith.constant 9.500000e+01 : f32
    %broadcast_in_dim3A_722 = vector.broadcast %jit3A_721 : f32 to vector<8x2048xf32>
    %select_n3A_723 = arith.select %lt3A_719, %broadcast_in_dim3A_722, %select_n3A_717 : vector<8x2048xi1>, vector<8x2048xf32>
    %slice3A_724 = vector.extract_strided_slice %add3A_36 {offsets = [768, 0], sizes = [8, 2048], strides = [1, 1]} : vector<1024x2048xf32> to vector<8x2048xf32>
    %lt3A_725 = arith.cmpf olt, %slice3A_724, %select_n3A_720 : vector<8x2048xf32>
    %select_n3A_726 = arith.select %lt3A_725, %slice3A_724, %select_n3A_720 : vector<8x2048xi1>, vector<8x2048xf32>
    %jit3A_727 = arith.constant 9.600000e+01 : f32
    %broadcast_in_dim3A_728 = vector.broadcast %jit3A_727 : f32 to vector<8x2048xf32>
    %select_n3A_729 = arith.select %lt3A_725, %broadcast_in_dim3A_728, %select_n3A_723 : vector<8x2048xi1>, vector<8x2048xf32>
    %slice3A_730 = vector.extract_strided_slice %add3A_36 {offsets = [776, 0], sizes = [8, 2048], strides = [1, 1]} : vector<1024x2048xf32> to vector<8x2048xf32>
    %lt3A_731 = arith.cmpf olt, %slice3A_730, %select_n3A_726 : vector<8x2048xf32>
    %select_n3A_732 = arith.select %lt3A_731, %slice3A_730, %select_n3A_726 : vector<8x2048xi1>, vector<8x2048xf32>
    %jit3A_733 = arith.constant 9.700000e+01 : f32
    %broadcast_in_dim3A_734 = vector.broadcast %jit3A_733 : f32 to vector<8x2048xf32>
    %select_n3A_735 = arith.select %lt3A_731, %broadcast_in_dim3A_734, %select_n3A_729 : vector<8x2048xi1>, vector<8x2048xf32>
    %slice3A_736 = vector.extract_strided_slice %add3A_36 {offsets = [784, 0], sizes = [8, 2048], strides = [1, 1]} : vector<1024x2048xf32> to vector<8x2048xf32>
    %lt3A_737 = arith.cmpf olt, %slice3A_736, %select_n3A_732 : vector<8x2048xf32>
    %select_n3A_738 = arith.select %lt3A_737, %slice3A_736, %select_n3A_732 : vector<8x2048xi1>, vector<8x2048xf32>
    %jit3A_739 = arith.constant 9.800000e+01 : f32
    %broadcast_in_dim3A_740 = vector.broadcast %jit3A_739 : f32 to vector<8x2048xf32>
    %select_n3A_741 = arith.select %lt3A_737, %broadcast_in_dim3A_740, %select_n3A_735 : vector<8x2048xi1>, vector<8x2048xf32>
    %slice3A_742 = vector.extract_strided_slice %add3A_36 {offsets = [792, 0], sizes = [8, 2048], strides = [1, 1]} : vector<1024x2048xf32> to vector<8x2048xf32>
    %lt3A_743 = arith.cmpf olt, %slice3A_742, %select_n3A_738 : vector<8x2048xf32>
    %select_n3A_744 = arith.select %lt3A_743, %slice3A_742, %select_n3A_738 : vector<8x2048xi1>, vector<8x2048xf32>
    %jit3A_745 = arith.constant 9.900000e+01 : f32
    %broadcast_in_dim3A_746 = vector.broadcast %jit3A_745 : f32 to vector<8x2048xf32>
    %select_n3A_747 = arith.select %lt3A_743, %broadcast_in_dim3A_746, %select_n3A_741 : vector<8x2048xi1>, vector<8x2048xf32>
    %slice3A_748 = vector.extract_strided_slice %add3A_36 {offsets = [800, 0], sizes = [8, 2048], strides = [1, 1]} : vector<1024x2048xf32> to vector<8x2048xf32>
    %lt3A_749 = arith.cmpf olt, %slice3A_748, %select_n3A_744 : vector<8x2048xf32>
    %select_n3A_750 = arith.select %lt3A_749, %slice3A_748, %select_n3A_744 : vector<8x2048xi1>, vector<8x2048xf32>
    %jit3A_751 = arith.constant 1.000000e+02 : f32
    %broadcast_in_dim3A_752 = vector.broadcast %jit3A_751 : f32 to vector<8x2048xf32>
    %select_n3A_753 = arith.select %lt3A_749, %broadcast_in_dim3A_752, %select_n3A_747 : vector<8x2048xi1>, vector<8x2048xf32>
    %slice3A_754 = vector.extract_strided_slice %add3A_36 {offsets = [808, 0], sizes = [8, 2048], strides = [1, 1]} : vector<1024x2048xf32> to vector<8x2048xf32>
    %lt3A_755 = arith.cmpf olt, %slice3A_754, %select_n3A_750 : vector<8x2048xf32>
    %select_n3A_756 = arith.select %lt3A_755, %slice3A_754, %select_n3A_750 : vector<8x2048xi1>, vector<8x2048xf32>
    %jit3A_757 = arith.constant 1.010000e+02 : f32
    %broadcast_in_dim3A_758 = vector.broadcast %jit3A_757 : f32 to vector<8x2048xf32>
    %select_n3A_759 = arith.select %lt3A_755, %broadcast_in_dim3A_758, %select_n3A_753 : vector<8x2048xi1>, vector<8x2048xf32>
    %slice3A_760 = vector.extract_strided_slice %add3A_36 {offsets = [816, 0], sizes = [8, 2048], strides = [1, 1]} : vector<1024x2048xf32> to vector<8x2048xf32>
    %lt3A_761 = arith.cmpf olt, %slice3A_760, %select_n3A_756 : vector<8x2048xf32>
    %select_n3A_762 = arith.select %lt3A_761, %slice3A_760, %select_n3A_756 : vector<8x2048xi1>, vector<8x2048xf32>
    %jit3A_763 = arith.constant 1.020000e+02 : f32
    %broadcast_in_dim3A_764 = vector.broadcast %jit3A_763 : f32 to vector<8x2048xf32>
    %select_n3A_765 = arith.select %lt3A_761, %broadcast_in_dim3A_764, %select_n3A_759 : vector<8x2048xi1>, vector<8x2048xf32>
    %slice3A_766 = vector.extract_strided_slice %add3A_36 {offsets = [824, 0], sizes = [8, 2048], strides = [1, 1]} : vector<1024x2048xf32> to vector<8x2048xf32>
    %lt3A_767 = arith.cmpf olt, %slice3A_766, %select_n3A_762 : vector<8x2048xf32>
    %select_n3A_768 = arith.select %lt3A_767, %slice3A_766, %select_n3A_762 : vector<8x2048xi1>, vector<8x2048xf32>
    %jit3A_769 = arith.constant 1.030000e+02 : f32
    %broadcast_in_dim3A_770 = vector.broadcast %jit3A_769 : f32 to vector<8x2048xf32>
    %select_n3A_771 = arith.select %lt3A_767, %broadcast_in_dim3A_770, %select_n3A_765 : vector<8x2048xi1>, vector<8x2048xf32>
    %slice3A_772 = vector.extract_strided_slice %add3A_36 {offsets = [832, 0], sizes = [8, 2048], strides = [1, 1]} : vector<1024x2048xf32> to vector<8x2048xf32>
    %lt3A_773 = arith.cmpf olt, %slice3A_772, %select_n3A_768 : vector<8x2048xf32>
    %select_n3A_774 = arith.select %lt3A_773, %slice3A_772, %select_n3A_768 : vector<8x2048xi1>, vector<8x2048xf32>
    %jit3A_775 = arith.constant 1.040000e+02 : f32
    %broadcast_in_dim3A_776 = vector.broadcast %jit3A_775 : f32 to vector<8x2048xf32>
    %select_n3A_777 = arith.select %lt3A_773, %broadcast_in_dim3A_776, %select_n3A_771 : vector<8x2048xi1>, vector<8x2048xf32>
    %slice3A_778 = vector.extract_strided_slice %add3A_36 {offsets = [840, 0], sizes = [8, 2048], strides = [1, 1]} : vector<1024x2048xf32> to vector<8x2048xf32>
    %lt3A_779 = arith.cmpf olt, %slice3A_778, %select_n3A_774 : vector<8x2048xf32>
    %select_n3A_780 = arith.select %lt3A_779, %slice3A_778, %select_n3A_774 : vector<8x2048xi1>, vector<8x2048xf32>
    %jit3A_781 = arith.constant 1.050000e+02 : f32
    %broadcast_in_dim3A_782 = vector.broadcast %jit3A_781 : f32 to vector<8x2048xf32>
    %select_n3A_783 = arith.select %lt3A_779, %broadcast_in_dim3A_782, %select_n3A_777 : vector<8x2048xi1>, vector<8x2048xf32>
    %slice3A_784 = vector.extract_strided_slice %add3A_36 {offsets = [848, 0], sizes = [8, 2048], strides = [1, 1]} : vector<1024x2048xf32> to vector<8x2048xf32>
    %lt3A_785 = arith.cmpf olt, %slice3A_784, %select_n3A_780 : vector<8x2048xf32>
    %select_n3A_786 = arith.select %lt3A_785, %slice3A_784, %select_n3A_780 : vector<8x2048xi1>, vector<8x2048xf32>
    %jit3A_787 = arith.constant 1.060000e+02 : f32
    %broadcast_in_dim3A_788 = vector.broadcast %jit3A_787 : f32 to vector<8x2048xf32>
    %select_n3A_789 = arith.select %lt3A_785, %broadcast_in_dim3A_788, %select_n3A_783 : vector<8x2048xi1>, vector<8x2048xf32>
    %slice3A_790 = vector.extract_strided_slice %add3A_36 {offsets = [856, 0], sizes = [8, 2048], strides = [1, 1]} : vector<1024x2048xf32> to vector<8x2048xf32>
    %lt3A_791 = arith.cmpf olt, %slice3A_790, %select_n3A_786 : vector<8x2048xf32>
    %select_n3A_792 = arith.select %lt3A_791, %slice3A_790, %select_n3A_786 : vector<8x2048xi1>, vector<8x2048xf32>
    %jit3A_793 = arith.constant 1.070000e+02 : f32
    %broadcast_in_dim3A_794 = vector.broadcast %jit3A_793 : f32 to vector<8x2048xf32>
    %select_n3A_795 = arith.select %lt3A_791, %broadcast_in_dim3A_794, %select_n3A_789 : vector<8x2048xi1>, vector<8x2048xf32>
    %slice3A_796 = vector.extract_strided_slice %add3A_36 {offsets = [864, 0], sizes = [8, 2048], strides = [1, 1]} : vector<1024x2048xf32> to vector<8x2048xf32>
    %lt3A_797 = arith.cmpf olt, %slice3A_796, %select_n3A_792 : vector<8x2048xf32>
    %select_n3A_798 = arith.select %lt3A_797, %slice3A_796, %select_n3A_792 : vector<8x2048xi1>, vector<8x2048xf32>
    %jit3A_799 = arith.constant 1.080000e+02 : f32
    %broadcast_in_dim3A_800 = vector.broadcast %jit3A_799 : f32 to vector<8x2048xf32>
    %select_n3A_801 = arith.select %lt3A_797, %broadcast_in_dim3A_800, %select_n3A_795 : vector<8x2048xi1>, vector<8x2048xf32>
    %slice3A_802 = vector.extract_strided_slice %add3A_36 {offsets = [872, 0], sizes = [8, 2048], strides = [1, 1]} : vector<1024x2048xf32> to vector<8x2048xf32>
    %lt3A_803 = arith.cmpf olt, %slice3A_802, %select_n3A_798 : vector<8x2048xf32>
    %select_n3A_804 = arith.select %lt3A_803, %slice3A_802, %select_n3A_798 : vector<8x2048xi1>, vector<8x2048xf32>
    %jit3A_805 = arith.constant 1.090000e+02 : f32
    %broadcast_in_dim3A_806 = vector.broadcast %jit3A_805 : f32 to vector<8x2048xf32>
    %select_n3A_807 = arith.select %lt3A_803, %broadcast_in_dim3A_806, %select_n3A_801 : vector<8x2048xi1>, vector<8x2048xf32>
    %slice3A_808 = vector.extract_strided_slice %add3A_36 {offsets = [880, 0], sizes = [8, 2048], strides = [1, 1]} : vector<1024x2048xf32> to vector<8x2048xf32>
    %lt3A_809 = arith.cmpf olt, %slice3A_808, %select_n3A_804 : vector<8x2048xf32>
    %select_n3A_810 = arith.select %lt3A_809, %slice3A_808, %select_n3A_804 : vector<8x2048xi1>, vector<8x2048xf32>
    %jit3A_811 = arith.constant 1.100000e+02 : f32
    %broadcast_in_dim3A_812 = vector.broadcast %jit3A_811 : f32 to vector<8x2048xf32>
    %select_n3A_813 = arith.select %lt3A_809, %broadcast_in_dim3A_812, %select_n3A_807 : vector<8x2048xi1>, vector<8x2048xf32>
    %slice3A_814 = vector.extract_strided_slice %add3A_36 {offsets = [888, 0], sizes = [8, 2048], strides = [1, 1]} : vector<1024x2048xf32> to vector<8x2048xf32>
    %lt3A_815 = arith.cmpf olt, %slice3A_814, %select_n3A_810 : vector<8x2048xf32>
    %select_n3A_816 = arith.select %lt3A_815, %slice3A_814, %select_n3A_810 : vector<8x2048xi1>, vector<8x2048xf32>
    %jit3A_817 = arith.constant 1.110000e+02 : f32
    %broadcast_in_dim3A_818 = vector.broadcast %jit3A_817 : f32 to vector<8x2048xf32>
    %select_n3A_819 = arith.select %lt3A_815, %broadcast_in_dim3A_818, %select_n3A_813 : vector<8x2048xi1>, vector<8x2048xf32>
    %slice3A_820 = vector.extract_strided_slice %add3A_36 {offsets = [896, 0], sizes = [8, 2048], strides = [1, 1]} : vector<1024x2048xf32> to vector<8x2048xf32>
    %lt3A_821 = arith.cmpf olt, %slice3A_820, %select_n3A_816 : vector<8x2048xf32>
    %select_n3A_822 = arith.select %lt3A_821, %slice3A_820, %select_n3A_816 : vector<8x2048xi1>, vector<8x2048xf32>
    %jit3A_823 = arith.constant 1.120000e+02 : f32
    %broadcast_in_dim3A_824 = vector.broadcast %jit3A_823 : f32 to vector<8x2048xf32>
    %select_n3A_825 = arith.select %lt3A_821, %broadcast_in_dim3A_824, %select_n3A_819 : vector<8x2048xi1>, vector<8x2048xf32>
    %slice3A_826 = vector.extract_strided_slice %add3A_36 {offsets = [904, 0], sizes = [8, 2048], strides = [1, 1]} : vector<1024x2048xf32> to vector<8x2048xf32>
    %lt3A_827 = arith.cmpf olt, %slice3A_826, %select_n3A_822 : vector<8x2048xf32>
    %select_n3A_828 = arith.select %lt3A_827, %slice3A_826, %select_n3A_822 : vector<8x2048xi1>, vector<8x2048xf32>
    %jit3A_829 = arith.constant 1.130000e+02 : f32
    %broadcast_in_dim3A_830 = vector.broadcast %jit3A_829 : f32 to vector<8x2048xf32>
    %select_n3A_831 = arith.select %lt3A_827, %broadcast_in_dim3A_830, %select_n3A_825 : vector<8x2048xi1>, vector<8x2048xf32>
    %slice3A_832 = vector.extract_strided_slice %add3A_36 {offsets = [912, 0], sizes = [8, 2048], strides = [1, 1]} : vector<1024x2048xf32> to vector<8x2048xf32>
    %lt3A_833 = arith.cmpf olt, %slice3A_832, %select_n3A_828 : vector<8x2048xf32>
    %select_n3A_834 = arith.select %lt3A_833, %slice3A_832, %select_n3A_828 : vector<8x2048xi1>, vector<8x2048xf32>
    %jit3A_835 = arith.constant 1.140000e+02 : f32
    %broadcast_in_dim3A_836 = vector.broadcast %jit3A_835 : f32 to vector<8x2048xf32>
    %select_n3A_837 = arith.select %lt3A_833, %broadcast_in_dim3A_836, %select_n3A_831 : vector<8x2048xi1>, vector<8x2048xf32>
    %slice3A_838 = vector.extract_strided_slice %add3A_36 {offsets = [920, 0], sizes = [8, 2048], strides = [1, 1]} : vector<1024x2048xf32> to vector<8x2048xf32>
    %lt3A_839 = arith.cmpf olt, %slice3A_838, %select_n3A_834 : vector<8x2048xf32>
    %select_n3A_840 = arith.select %lt3A_839, %slice3A_838, %select_n3A_834 : vector<8x2048xi1>, vector<8x2048xf32>
    %jit3A_841 = arith.constant 1.150000e+02 : f32
    %broadcast_in_dim3A_842 = vector.broadcast %jit3A_841 : f32 to vector<8x2048xf32>
    %select_n3A_843 = arith.select %lt3A_839, %broadcast_in_dim3A_842, %select_n3A_837 : vector<8x2048xi1>, vector<8x2048xf32>
    %slice3A_844 = vector.extract_strided_slice %add3A_36 {offsets = [928, 0], sizes = [8, 2048], strides = [1, 1]} : vector<1024x2048xf32> to vector<8x2048xf32>
    %lt3A_845 = arith.cmpf olt, %slice3A_844, %select_n3A_840 : vector<8x2048xf32>
    %select_n3A_846 = arith.select %lt3A_845, %slice3A_844, %select_n3A_840 : vector<8x2048xi1>, vector<8x2048xf32>
    %jit3A_847 = arith.constant 1.160000e+02 : f32
    %broadcast_in_dim3A_848 = vector.broadcast %jit3A_847 : f32 to vector<8x2048xf32>
    %select_n3A_849 = arith.select %lt3A_845, %broadcast_in_dim3A_848, %select_n3A_843 : vector<8x2048xi1>, vector<8x2048xf32>
    %slice3A_850 = vector.extract_strided_slice %add3A_36 {offsets = [936, 0], sizes = [8, 2048], strides = [1, 1]} : vector<1024x2048xf32> to vector<8x2048xf32>
    %lt3A_851 = arith.cmpf olt, %slice3A_850, %select_n3A_846 : vector<8x2048xf32>
    %select_n3A_852 = arith.select %lt3A_851, %slice3A_850, %select_n3A_846 : vector<8x2048xi1>, vector<8x2048xf32>
    %jit3A_853 = arith.constant 1.170000e+02 : f32
    %broadcast_in_dim3A_854 = vector.broadcast %jit3A_853 : f32 to vector<8x2048xf32>
    %select_n3A_855 = arith.select %lt3A_851, %broadcast_in_dim3A_854, %select_n3A_849 : vector<8x2048xi1>, vector<8x2048xf32>
    %slice3A_856 = vector.extract_strided_slice %add3A_36 {offsets = [944, 0], sizes = [8, 2048], strides = [1, 1]} : vector<1024x2048xf32> to vector<8x2048xf32>
    %lt3A_857 = arith.cmpf olt, %slice3A_856, %select_n3A_852 : vector<8x2048xf32>
    %select_n3A_858 = arith.select %lt3A_857, %slice3A_856, %select_n3A_852 : vector<8x2048xi1>, vector<8x2048xf32>
    %jit3A_859 = arith.constant 1.180000e+02 : f32
    %broadcast_in_dim3A_860 = vector.broadcast %jit3A_859 : f32 to vector<8x2048xf32>
    %select_n3A_861 = arith.select %lt3A_857, %broadcast_in_dim3A_860, %select_n3A_855 : vector<8x2048xi1>, vector<8x2048xf32>
    %slice3A_862 = vector.extract_strided_slice %add3A_36 {offsets = [952, 0], sizes = [8, 2048], strides = [1, 1]} : vector<1024x2048xf32> to vector<8x2048xf32>
    %lt3A_863 = arith.cmpf olt, %slice3A_862, %select_n3A_858 : vector<8x2048xf32>
    %select_n3A_864 = arith.select %lt3A_863, %slice3A_862, %select_n3A_858 : vector<8x2048xi1>, vector<8x2048xf32>
    %jit3A_865 = arith.constant 1.190000e+02 : f32
    %broadcast_in_dim3A_866 = vector.broadcast %jit3A_865 : f32 to vector<8x2048xf32>
    %select_n3A_867 = arith.select %lt3A_863, %broadcast_in_dim3A_866, %select_n3A_861 : vector<8x2048xi1>, vector<8x2048xf32>
    %slice3A_868 = vector.extract_strided_slice %add3A_36 {offsets = [960, 0], sizes = [8, 2048], strides = [1, 1]} : vector<1024x2048xf32> to vector<8x2048xf32>
    %lt3A_869 = arith.cmpf olt, %slice3A_868, %select_n3A_864 : vector<8x2048xf32>
    %select_n3A_870 = arith.select %lt3A_869, %slice3A_868, %select_n3A_864 : vector<8x2048xi1>, vector<8x2048xf32>
    %jit3A_871 = arith.constant 1.200000e+02 : f32
    %broadcast_in_dim3A_872 = vector.broadcast %jit3A_871 : f32 to vector<8x2048xf32>
    %select_n3A_873 = arith.select %lt3A_869, %broadcast_in_dim3A_872, %select_n3A_867 : vector<8x2048xi1>, vector<8x2048xf32>
    %slice3A_874 = vector.extract_strided_slice %add3A_36 {offsets = [968, 0], sizes = [8, 2048], strides = [1, 1]} : vector<1024x2048xf32> to vector<8x2048xf32>
    %lt3A_875 = arith.cmpf olt, %slice3A_874, %select_n3A_870 : vector<8x2048xf32>
    %select_n3A_876 = arith.select %lt3A_875, %slice3A_874, %select_n3A_870 : vector<8x2048xi1>, vector<8x2048xf32>
    %jit3A_877 = arith.constant 1.210000e+02 : f32
    %broadcast_in_dim3A_878 = vector.broadcast %jit3A_877 : f32 to vector<8x2048xf32>
    %select_n3A_879 = arith.select %lt3A_875, %broadcast_in_dim3A_878, %select_n3A_873 : vector<8x2048xi1>, vector<8x2048xf32>
    %slice3A_880 = vector.extract_strided_slice %add3A_36 {offsets = [976, 0], sizes = [8, 2048], strides = [1, 1]} : vector<1024x2048xf32> to vector<8x2048xf32>
    %lt3A_881 = arith.cmpf olt, %slice3A_880, %select_n3A_876 : vector<8x2048xf32>
    %select_n3A_882 = arith.select %lt3A_881, %slice3A_880, %select_n3A_876 : vector<8x2048xi1>, vector<8x2048xf32>
    %jit3A_883 = arith.constant 1.220000e+02 : f32
    %broadcast_in_dim3A_884 = vector.broadcast %jit3A_883 : f32 to vector<8x2048xf32>
    %select_n3A_885 = arith.select %lt3A_881, %broadcast_in_dim3A_884, %select_n3A_879 : vector<8x2048xi1>, vector<8x2048xf32>
    %slice3A_886 = vector.extract_strided_slice %add3A_36 {offsets = [984, 0], sizes = [8, 2048], strides = [1, 1]} : vector<1024x2048xf32> to vector<8x2048xf32>
    %lt3A_887 = arith.cmpf olt, %slice3A_886, %select_n3A_882 : vector<8x2048xf32>
    %select_n3A_888 = arith.select %lt3A_887, %slice3A_886, %select_n3A_882 : vector<8x2048xi1>, vector<8x2048xf32>
    %jit3A_889 = arith.constant 1.230000e+02 : f32
    %broadcast_in_dim3A_890 = vector.broadcast %jit3A_889 : f32 to vector<8x2048xf32>
    %select_n3A_891 = arith.select %lt3A_887, %broadcast_in_dim3A_890, %select_n3A_885 : vector<8x2048xi1>, vector<8x2048xf32>
    %slice3A_892 = vector.extract_strided_slice %add3A_36 {offsets = [992, 0], sizes = [8, 2048], strides = [1, 1]} : vector<1024x2048xf32> to vector<8x2048xf32>
    %lt3A_893 = arith.cmpf olt, %slice3A_892, %select_n3A_888 : vector<8x2048xf32>
    %select_n3A_894 = arith.select %lt3A_893, %slice3A_892, %select_n3A_888 : vector<8x2048xi1>, vector<8x2048xf32>
    %jit3A_895 = arith.constant 1.240000e+02 : f32
    %broadcast_in_dim3A_896 = vector.broadcast %jit3A_895 : f32 to vector<8x2048xf32>
    %select_n3A_897 = arith.select %lt3A_893, %broadcast_in_dim3A_896, %select_n3A_891 : vector<8x2048xi1>, vector<8x2048xf32>
    %slice3A_898 = vector.extract_strided_slice %add3A_36 {offsets = [1000, 0], sizes = [8, 2048], strides = [1, 1]} : vector<1024x2048xf32> to vector<8x2048xf32>
    %lt3A_899 = arith.cmpf olt, %slice3A_898, %select_n3A_894 : vector<8x2048xf32>
    %select_n3A_900 = arith.select %lt3A_899, %slice3A_898, %select_n3A_894 : vector<8x2048xi1>, vector<8x2048xf32>
    %jit3A_901 = arith.constant 1.250000e+02 : f32
    %broadcast_in_dim3A_902 = vector.broadcast %jit3A_901 : f32 to vector<8x2048xf32>
    %select_n3A_903 = arith.select %lt3A_899, %broadcast_in_dim3A_902, %select_n3A_897 : vector<8x2048xi1>, vector<8x2048xf32>
    %slice3A_904 = vector.extract_strided_slice %add3A_36 {offsets = [1008, 0], sizes = [8, 2048], strides = [1, 1]} : vector<1024x2048xf32> to vector<8x2048xf32>
    %lt3A_905 = arith.cmpf olt, %slice3A_904, %select_n3A_900 : vector<8x2048xf32>
    %select_n3A_906 = arith.select %lt3A_905, %slice3A_904, %select_n3A_900 : vector<8x2048xi1>, vector<8x2048xf32>
    %jit3A_907 = arith.constant 1.260000e+02 : f32
    %broadcast_in_dim3A_908 = vector.broadcast %jit3A_907 : f32 to vector<8x2048xf32>
    %select_n3A_909 = arith.select %lt3A_905, %broadcast_in_dim3A_908, %select_n3A_903 : vector<8x2048xi1>, vector<8x2048xf32>
    %slice3A_910 = vector.extract_strided_slice %add3A_36 {offsets = [1016, 0], sizes = [8, 2048], strides = [1, 1]} : vector<1024x2048xf32> to vector<8x2048xf32>
    %lt3A_911 = arith.cmpf olt, %slice3A_910, %select_n3A_906 : vector<8x2048xf32>
    %select_n3A_912 = arith.select %lt3A_911, %slice3A_910, %select_n3A_906 : vector<8x2048xi1>, vector<8x2048xf32>
    %jit3A_913 = arith.constant 1.270000e+02 : f32
    %broadcast_in_dim3A_914 = vector.broadcast %jit3A_913 : f32 to vector<8x2048xf32>
    %select_n3A_915 = arith.select %lt3A_911, %broadcast_in_dim3A_914, %select_n3A_909 : vector<8x2048xi1>, vector<8x2048xf32>
    %iota3A_916 = tpu.iota {dimensions = array<i32: 0>} : vector<8x2048xi32>
    %convert_element_type3A_917 = arith.sitofp %iota3A_916 : vector<8x2048xi32> to vector<8x2048xf32>
    %mul3A_918 = arith.constant 8.000000e+00 : f32
    %mul3A_919 = vector.broadcast %mul3A_918 : f32 to vector<8x2048xf32>
    %mul3A_920 = arith.mulf %select_n3A_915, %mul3A_919 : vector<8x2048xf32>
    %add3A_921 = arith.addf %mul3A_920, %convert_element_type3A_917 : vector<8x2048xf32>
    %roll3A = arith.constant 4 : i32
    %roll3A_922 = tpu.dynamic_rotate %select_n3A_912 by %roll3A dim 0 : vector<8x2048xf32>, i32 -> vector<8x2048xf32>
    %roll3A_923 = arith.constant 4 : i32
    %roll3A_924 = tpu.dynamic_rotate %add3A_921 by %roll3A_923 dim 0 : vector<8x2048xf32>, i32 -> vector<8x2048xf32>
    %lt3A_925 = arith.cmpf olt, %roll3A_922, %select_n3A_912 : vector<8x2048xf32>
    %eq3A_926 = arith.cmpf oeq, %roll3A_922, %select_n3A_912 : vector<8x2048xf32>
    %min3A = arith.minimumf %add3A_921, %roll3A_924 : vector<8x2048xf32>
    %select_n3A_927 = arith.select %eq3A_926, %min3A, %add3A_921 : vector<8x2048xi1>, vector<8x2048xf32>
    %select_n3A_928 = arith.select %lt3A_925, %roll3A_924, %select_n3A_927 : vector<8x2048xi1>, vector<8x2048xf32>
    %select_n3A_929 = arith.select %lt3A_925, %roll3A_922, %select_n3A_912 : vector<8x2048xi1>, vector<8x2048xf32>
    %roll3A_930 = arith.constant 2 : i32
    %roll3A_931 = tpu.dynamic_rotate %select_n3A_929 by %roll3A_930 dim 0 : vector<8x2048xf32>, i32 -> vector<8x2048xf32>
    %roll3A_932 = arith.constant 2 : i32
    %roll3A_933 = tpu.dynamic_rotate %select_n3A_928 by %roll3A_932 dim 0 : vector<8x2048xf32>, i32 -> vector<8x2048xf32>
    %lt3A_934 = arith.cmpf olt, %roll3A_931, %select_n3A_929 : vector<8x2048xf32>
    %eq3A_935 = arith.cmpf oeq, %roll3A_931, %select_n3A_929 : vector<8x2048xf32>
    %min3A_936 = arith.minimumf %select_n3A_928, %roll3A_933 : vector<8x2048xf32>
    %select_n3A_937 = arith.select %eq3A_935, %min3A_936, %select_n3A_928 : vector<8x2048xi1>, vector<8x2048xf32>
    %select_n3A_938 = arith.select %lt3A_934, %roll3A_933, %select_n3A_937 : vector<8x2048xi1>, vector<8x2048xf32>
    %select_n3A_939 = arith.select %lt3A_934, %roll3A_931, %select_n3A_929 : vector<8x2048xi1>, vector<8x2048xf32>
    %roll3A_940 = arith.constant 1 : i32
    %roll3A_941 = tpu.dynamic_rotate %select_n3A_939 by %roll3A_940 dim 0 : vector<8x2048xf32>, i32 -> vector<8x2048xf32>
    %roll3A_942 = arith.constant 1 : i32
    %roll3A_943 = tpu.dynamic_rotate %select_n3A_938 by %roll3A_942 dim 0 : vector<8x2048xf32>, i32 -> vector<8x2048xf32>
    %lt3A_944 = arith.cmpf olt, %roll3A_941, %select_n3A_939 : vector<8x2048xf32>
    %eq3A_945 = arith.cmpf oeq, %roll3A_941, %select_n3A_939 : vector<8x2048xf32>
    %min3A_946 = arith.minimumf %select_n3A_938, %roll3A_943 : vector<8x2048xf32>
    %select_n3A_947 = arith.select %eq3A_945, %min3A_946, %select_n3A_938 : vector<8x2048xi1>, vector<8x2048xf32>
    %select_n3A_948 = arith.select %lt3A_944, %roll3A_943, %select_n3A_947 : vector<8x2048xi1>, vector<8x2048xf32>
    %select_n3A_949 = arith.select %lt3A_944, %roll3A_941, %select_n3A_939 : vector<8x2048xi1>, vector<8x2048xf32>
    %slice3A_950 = vector.extract_strided_slice %select_n3A_949 {offsets = [0, 0], sizes = [1, 2048], strides = [1, 1]} : vector<8x2048xf32> to vector<1x2048xf32>
    %slice3A_951 = vector.extract_strided_slice %select_n3A_948 {offsets = [0, 0], sizes = [1, 2048], strides = [1, 1]} : vector<8x2048xf32> to vector<1x2048xf32>
    %convert_element_type3A_952 = arith.sitofp %arg1 : i32 to f32
    %mul3A_953 = arith.constant 1.024000e+03 : f32
    %mul3A_954 = arith.mulf %mul3A_953, %convert_element_type3A_952 : f32
    %add3A_955 = vector.broadcast %mul3A_954 : f32 to vector<1x2048xf32>
    %add3A_956 = arith.addf %slice3A_951, %add3A_955 : vector<1x2048xf32>
    %eq3A_957 = arith.constant 0 : i32
    %eq3A_958 = arith.cmpi eq, %arg1, %eq3A_957 : i32
    %convert_element_type3A_959 = arith.extui %eq3A_958 : i1 to i32
    %cond3A = arith.constant 0 : i32
    %cond3A_960 = arith.cmpi ne, %convert_element_type3A_959, %cond3A : i32
    scf.if %cond3A_960 {
      %swap3A_965 = arith.constant 0 : index
      %swap3A_966 = arith.constant 0 : index
      %swap3A_967 = arith.constant 0 : index
      %swap3A_968 = vector.load %arg8[%swap3A_965, %swap3A_966, %swap3A_967] : memref<1x1x2048xf32, #tpu.memory_space<vmem>>, vector<1x1x2048xf32>
      %swap3A_969 = vector.shape_cast %swap3A_968 : vector<1x1x2048xf32> to vector<1x2048xf32>
      %swap3A_970 = vector.shape_cast %slice3A_950 : vector<1x2048xf32> to vector<1x1x2048xf32>
      tpu.vector_store %arg8[%swap3A_965, %swap3A_966, %swap3A_967], %swap3A_970 {strides = array<i32>} : memref<1x1x2048xf32, #tpu.memory_space<vmem>>, vector<1x1x2048xf32>,
      %convert_element_type3A_971 = arith.fptosi %add3A_956 : vector<1x2048xf32> to vector<1x2048xi32>
      %swap3A_972 = arith.constant 0 : index
      %swap3A_973 = arith.constant 0 : index
      %swap3A_974 = arith.constant 0 : index
      %swap3A_975 = vector.load %arg9[%swap3A_972, %swap3A_973, %swap3A_974] : memref<1x1x2048xi32, #tpu.memory_space<vmem>>, vector<1x1x2048xi32>
      %swap3A_976 = vector.shape_cast %swap3A_975 : vector<1x1x2048xi32> to vector<1x2048xi32>
      %swap3A_977 = vector.shape_cast %convert_element_type3A_971 : vector<1x2048xi32> to vector<1x1x2048xi32>
      tpu.vector_store %arg9[%swap3A_972, %swap3A_973, %swap3A_974], %swap3A_977 {strides = array<i32>} : memref<1x1x2048xi32, #tpu.memory_space<vmem>>, vector<1x1x2048xi32>,
    } else {
    }
    %ne3A = arith.constant 0 : i32
    %ne3A_961 = arith.cmpi ne, %arg1, %ne3A : i32
    %convert_element_type3A_962 = arith.extui %ne3A_961 : i1 to i32
    %cond3A_963 = arith.constant 0 : i32
    %cond3A_964 = arith.cmpi ne, %convert_element_type3A_962, %cond3A_963 : i32
    scf.if %cond3A_964 {
      %get3A_965 = arith.constant 0 : index
      %get3A_966 = arith.constant 0 : index
      %get3A_967 = arith.constant 0 : index
      %get3A_968 = vector.load %arg8[%get3A_965, %get3A_966, %get3A_967] : memref<1x1x2048xf32, #tpu.memory_space<vmem>>, vector<1x1x2048xf32>
      %get3A_969 = vector.shape_cast %get3A_968 : vector<1x1x2048xf32> to vector<1x2048xf32>
      %lt3A_970 = arith.cmpf olt, %slice3A_950, %get3A_969 : vector<1x2048xf32>
      %select_n3A_971 = arith.select %lt3A_970, %slice3A_950, %get3A_969 : vector<1x2048xi1>, vector<1x2048xf32>
      %swap3A_972 = arith.constant 0 : index
      %swap3A_973 = arith.constant 0 : index
      %swap3A_974 = arith.constant 0 : index
      %swap3A_975 = vector.load %arg8[%swap3A_972, %swap3A_973, %swap3A_974] : memref<1x1x2048xf32, #tpu.memory_space<vmem>>, vector<1x1x2048xf32>
      %swap3A_976 = vector.shape_cast %swap3A_975 : vector<1x1x2048xf32> to vector<1x2048xf32>
      %swap3A_977 = vector.shape_cast %select_n3A_971 : vector<1x2048xf32> to vector<1x1x2048xf32>
      tpu.vector_store %arg8[%swap3A_972, %swap3A_973, %swap3A_974], %swap3A_977 {strides = array<i32>} : memref<1x1x2048xf32, #tpu.memory_space<vmem>>, vector<1x1x2048xf32>,
      %convert_element_type3A_978 = arith.fptosi %add3A_956 : vector<1x2048xf32> to vector<1x2048xi32>
      %get3A_979 = arith.constant 0 : index
      %get3A_980 = arith.constant 0 : index
      %get3A_981 = arith.constant 0 : index
      %get3A_982 = vector.load %arg9[%get3A_979, %get3A_980, %get3A_981] : memref<1x1x2048xi32, #tpu.memory_space<vmem>>, vector<1x1x2048xi32>
      %get3A_983 = vector.shape_cast %get3A_982 : vector<1x1x2048xi32> to vector<1x2048xi32>
      %select_n3A_984 = arith.select %lt3A_970, %convert_element_type3A_978, %get3A_983 : vector<1x2048xi1>, vector<1x2048xi32>
      %swap3A_985 = arith.constant 0 : index
      %swap3A_986 = arith.constant 0 : index
      %swap3A_987 = arith.constant 0 : index
      %swap3A_988 = vector.load %arg9[%swap3A_985, %swap3A_986, %swap3A_987] : memref<1x1x2048xi32, #tpu.memory_space<vmem>>, vector<1x1x2048xi32>
      %swap3A_989 = vector.shape_cast %swap3A_988 : vector<1x1x2048xi32> to vector<1x2048xi32>
      %swap3A_990 = vector.shape_cast %select_n3A_984 : vector<1x2048xi32> to vector<1x1x2048xi32>
      tpu.vector_store %arg9[%swap3A_985, %swap3A_986, %swap3A_987], %swap3A_990 {strides = array<i32>} : memref<1x1x2048xi32, #tpu.memory_space<vmem>>, vector<1x1x2048xi32>,
    } else {
    }
    return
  }
  func.func @transform_0(%arg0: i32, %arg1: i32) -> (i32, i32, i32) {
    %c0_i32 = arith.constant 0 : i32
    %c0_i32_0 = arith.constant 0 : i32
    return %arg0, %arg1, %c0_i32 : i32, i32, i32
  }
  func.func @transform_1(%arg0: i32, %arg1: i32) -> (i32, i32, i32) {
    %c0_i32 = arith.constant 0 : i32
    %c0_i32_0 = arith.constant 0 : i32
    %c0_i32_1 = arith.constant 0 : i32
    return %arg0, %c0_i32, %c0_i32_0 : i32, i32, i32
  }
  func.func @transform_2(%arg0: i32, %arg1: i32) -> (i32, i32, i32) {
    %c0_i32 = arith.constant 0 : i32
    %c0_i32_0 = arith.constant 0 : i32
    return %arg0, %arg1, %c0_i32 : i32, i32, i32
  }
  func.func @transform_3(%arg0: i32, %arg1: i32) -> (i32, i32, i32) {
    %c0_i32 = arith.constant 0 : i32
    %c0_i32_0 = arith.constant 0 : i32
    %c0_i32_1 = arith.constant 0 : i32
    return %arg0, %c0_i32, %c0_i32_0 : i32, i32, i32
  }
  func.func @transform_4(%arg0: i32, %arg1: i32) -> (i32, i32, i32) {
    %c0_i32 = arith.constant 0 : i32
    %c0_i32_0 = arith.constant 0 : i32
    return %arg0, %arg1, %c0_i32 : i32, i32, i32
  }
  func.func @transform_5(%arg0: i32, %arg1: i32) -> (i32, i32, i32) {
    %c0_i32 = arith.constant 0 : i32
    %c0_i32_0 = arith.constant 0 : i32
    return %arg0, %arg1, %c0_i32 : i32, i32, i32
  }
  func.func @transform_6(%arg0: i32, %arg1: i32) -> (i32, i32, i32) {
    %c0_i32 = arith.constant 0 : i32
    %c0_i32_0 = arith.constant 0 : i32
    %c0_i32_1 = arith.constant 0 : i32
    return %arg0, %c0_i32, %c0_i32_0 : i32, i32, i32
  }
  func.func @transform_7(%arg0: i32, %arg1: i32) -> (i32, i32, i32) {
    %c0_i32 = arith.constant 0 : i32
    %c0_i32_0 = arith.constant 0 : i32
    %c0_i32_1 = arith.constant 0 : i32
    return %arg0, %c0_i32, %c0_i32_0 : i32, i32, i32
  }
}

module attributes {stable_mosaic.version = 14 : i64} {
  func.func @_merge_body(%arg0: memref<1x32x2048xf32, #tpu.memory_space<vmem>>, %arg1: memref<1x32x2048xf32, #tpu.memory_space<vmem>>, %arg2: memref<1x1x2048xf32, #tpu.memory_space<vmem>>, %arg3: memref<1x1x2048xi32, #tpu.memory_space<vmem>>) attributes {dimension_semantics = [], scalar_prefetch = 0 : i64, scratch_operands = 0 : i64, tpu.core_type = #tpu.core_type<tc>} {
    %get3A = arith.constant 0 : index
    %get3A_0 = arith.constant 0 : index
    %get3A_1 = arith.constant 0 : index
    %get3A_2 = vector.load %arg0[%get3A, %get3A_0, %get3A_1] : memref<1x32x2048xf32, #tpu.memory_space<vmem>>, vector<1x8x2048xf32>
    %get3A_3 = vector.shape_cast %get3A_2 : vector<1x8x2048xf32> to vector<8x2048xf32>
    %get3A_4 = arith.constant 0 : index
    %get3A_5 = arith.constant 0 : index
    %get3A_6 = arith.constant 0 : index
    %get3A_7 = vector.load %arg1[%get3A_4, %get3A_5, %get3A_6] : memref<1x32x2048xf32, #tpu.memory_space<vmem>>, vector<1x8x2048xf32>
    %get3A_8 = vector.shape_cast %get3A_7 : vector<1x8x2048xf32> to vector<8x2048xf32>
    %get3A_9 = arith.constant 0 : index
    %get3A_10 = arith.constant 8 : index
    %get3A_11 = arith.constant 0 : index
    %get3A_12 = vector.load %arg0[%get3A_9, %get3A_10, %get3A_11] : memref<1x32x2048xf32, #tpu.memory_space<vmem>>, vector<1x8x2048xf32>
    %get3A_13 = vector.shape_cast %get3A_12 : vector<1x8x2048xf32> to vector<8x2048xf32>
    %get3A_14 = arith.constant 0 : index
    %get3A_15 = arith.constant 8 : index
    %get3A_16 = arith.constant 0 : index
    %get3A_17 = vector.load %arg1[%get3A_14, %get3A_15, %get3A_16] : memref<1x32x2048xf32, #tpu.memory_space<vmem>>, vector<1x8x2048xf32>
    %get3A_18 = vector.shape_cast %get3A_17 : vector<1x8x2048xf32> to vector<8x2048xf32>
    %lt3A = arith.cmpf olt, %get3A_13, %get3A_3 : vector<8x2048xf32>
    %select_n3A = arith.select %lt3A, %get3A_13, %get3A_3 : vector<8x2048xi1>, vector<8x2048xf32>
    %select_n3A_19 = arith.select %lt3A, %get3A_18, %get3A_8 : vector<8x2048xi1>, vector<8x2048xf32>
    %get3A_20 = arith.constant 0 : index
    %get3A_21 = arith.constant 16 : index
    %get3A_22 = arith.constant 0 : index
    %get3A_23 = vector.load %arg0[%get3A_20, %get3A_21, %get3A_22] : memref<1x32x2048xf32, #tpu.memory_space<vmem>>, vector<1x8x2048xf32>
    %get3A_24 = vector.shape_cast %get3A_23 : vector<1x8x2048xf32> to vector<8x2048xf32>
    %get3A_25 = arith.constant 0 : index
    %get3A_26 = arith.constant 16 : index
    %get3A_27 = arith.constant 0 : index
    %get3A_28 = vector.load %arg1[%get3A_25, %get3A_26, %get3A_27] : memref<1x32x2048xf32, #tpu.memory_space<vmem>>, vector<1x8x2048xf32>
    %get3A_29 = vector.shape_cast %get3A_28 : vector<1x8x2048xf32> to vector<8x2048xf32>
    %lt3A_30 = arith.cmpf olt, %get3A_24, %select_n3A : vector<8x2048xf32>
    %select_n3A_31 = arith.select %lt3A_30, %get3A_24, %select_n3A : vector<8x2048xi1>, vector<8x2048xf32>
    %select_n3A_32 = arith.select %lt3A_30, %get3A_29, %select_n3A_19 : vector<8x2048xi1>, vector<8x2048xf32>
    %get3A_33 = arith.constant 0 : index
    %get3A_34 = arith.constant 24 : index
    %get3A_35 = arith.constant 0 : index
    %get3A_36 = vector.load %arg0[%get3A_33, %get3A_34, %get3A_35] : memref<1x32x2048xf32, #tpu.memory_space<vmem>>, vector<1x8x2048xf32>
    %get3A_37 = vector.shape_cast %get3A_36 : vector<1x8x2048xf32> to vector<8x2048xf32>
    %get3A_38 = arith.constant 0 : index
    %get3A_39 = arith.constant 24 : index
    %get3A_40 = arith.constant 0 : index
    %get3A_41 = vector.load %arg1[%get3A_38, %get3A_39, %get3A_40] : memref<1x32x2048xf32, #tpu.memory_space<vmem>>, vector<1x8x2048xf32>
    %get3A_42 = vector.shape_cast %get3A_41 : vector<1x8x2048xf32> to vector<8x2048xf32>
    %lt3A_43 = arith.cmpf olt, %get3A_37, %select_n3A_31 : vector<8x2048xf32>
    %select_n3A_44 = arith.select %lt3A_43, %get3A_37, %select_n3A_31 : vector<8x2048xi1>, vector<8x2048xf32>
    %select_n3A_45 = arith.select %lt3A_43, %get3A_42, %select_n3A_32 : vector<8x2048xi1>, vector<8x2048xf32>
    %roll3A = arith.constant 4 : i32
    %roll3A_46 = tpu.dynamic_rotate %select_n3A_44 by %roll3A dim 0 : vector<8x2048xf32>, i32 -> vector<8x2048xf32>
    %roll3A_47 = arith.constant 4 : i32
    %roll3A_48 = tpu.dynamic_rotate %select_n3A_45 by %roll3A_47 dim 0 : vector<8x2048xf32>, i32 -> vector<8x2048xf32>
    %lt3A_49 = arith.cmpf olt, %roll3A_46, %select_n3A_44 : vector<8x2048xf32>
    %eq3A = arith.cmpf oeq, %roll3A_46, %select_n3A_44 : vector<8x2048xf32>
    %min3A = arith.minimumf %select_n3A_45, %roll3A_48 : vector<8x2048xf32>
    %select_n3A_50 = arith.select %eq3A, %min3A, %select_n3A_45 : vector<8x2048xi1>, vector<8x2048xf32>
    %select_n3A_51 = arith.select %lt3A_49, %roll3A_48, %select_n3A_50 : vector<8x2048xi1>, vector<8x2048xf32>
    %select_n3A_52 = arith.select %lt3A_49, %roll3A_46, %select_n3A_44 : vector<8x2048xi1>, vector<8x2048xf32>
    %roll3A_53 = arith.constant 2 : i32
    %roll3A_54 = tpu.dynamic_rotate %select_n3A_52 by %roll3A_53 dim 0 : vector<8x2048xf32>, i32 -> vector<8x2048xf32>
    %roll3A_55 = arith.constant 2 : i32
    %roll3A_56 = tpu.dynamic_rotate %select_n3A_51 by %roll3A_55 dim 0 : vector<8x2048xf32>, i32 -> vector<8x2048xf32>
    %lt3A_57 = arith.cmpf olt, %roll3A_54, %select_n3A_52 : vector<8x2048xf32>
    %eq3A_58 = arith.cmpf oeq, %roll3A_54, %select_n3A_52 : vector<8x2048xf32>
    %min3A_59 = arith.minimumf %select_n3A_51, %roll3A_56 : vector<8x2048xf32>
    %select_n3A_60 = arith.select %eq3A_58, %min3A_59, %select_n3A_51 : vector<8x2048xi1>, vector<8x2048xf32>
    %select_n3A_61 = arith.select %lt3A_57, %roll3A_56, %select_n3A_60 : vector<8x2048xi1>, vector<8x2048xf32>
    %select_n3A_62 = arith.select %lt3A_57, %roll3A_54, %select_n3A_52 : vector<8x2048xi1>, vector<8x2048xf32>
    %roll3A_63 = arith.constant 1 : i32
    %roll3A_64 = tpu.dynamic_rotate %select_n3A_62 by %roll3A_63 dim 0 : vector<8x2048xf32>, i32 -> vector<8x2048xf32>
    %roll3A_65 = arith.constant 1 : i32
    %roll3A_66 = tpu.dynamic_rotate %select_n3A_61 by %roll3A_65 dim 0 : vector<8x2048xf32>, i32 -> vector<8x2048xf32>
    %lt3A_67 = arith.cmpf olt, %roll3A_64, %select_n3A_62 : vector<8x2048xf32>
    %eq3A_68 = arith.cmpf oeq, %roll3A_64, %select_n3A_62 : vector<8x2048xf32>
    %min3A_69 = arith.minimumf %select_n3A_61, %roll3A_66 : vector<8x2048xf32>
    %select_n3A_70 = arith.select %eq3A_68, %min3A_69, %select_n3A_61 : vector<8x2048xi1>, vector<8x2048xf32>
    %select_n3A_71 = arith.select %lt3A_67, %roll3A_66, %select_n3A_70 : vector<8x2048xi1>, vector<8x2048xf32>
    %select_n3A_72 = arith.select %lt3A_67, %roll3A_64, %select_n3A_62 : vector<8x2048xi1>, vector<8x2048xf32>
    %slice3A = vector.extract_strided_slice %select_n3A_72 {offsets = [0, 0], sizes = [1, 2048], strides = [1, 1]} : vector<8x2048xf32> to vector<1x2048xf32>
    %swap3A = arith.constant 0 : index
    %swap3A_73 = arith.constant 0 : index
    %swap3A_74 = arith.constant 0 : index
    %swap3A_75 = vector.load %arg2[%swap3A, %swap3A_73, %swap3A_74] : memref<1x1x2048xf32, #tpu.memory_space<vmem>>, vector<1x1x2048xf32>
    %swap3A_76 = vector.shape_cast %swap3A_75 : vector<1x1x2048xf32> to vector<1x2048xf32>
    %swap3A_77 = vector.shape_cast %slice3A : vector<1x2048xf32> to vector<1x1x2048xf32>
    tpu.vector_store %arg2[%swap3A, %swap3A_73, %swap3A_74], %swap3A_77 {strides = array<i32>} : memref<1x1x2048xf32, #tpu.memory_space<vmem>>, vector<1x1x2048xf32>,
    %slice3A_78 = vector.extract_strided_slice %select_n3A_71 {offsets = [0, 0], sizes = [1, 2048], strides = [1, 1]} : vector<8x2048xf32> to vector<1x2048xf32>
    %convert_element_type3A = arith.fptosi %slice3A_78 : vector<1x2048xf32> to vector<1x2048xi32>
    %swap3A_79 = arith.constant 0 : index
    %swap3A_80 = arith.constant 0 : index
    %swap3A_81 = arith.constant 0 : index
    %swap3A_82 = vector.load %arg3[%swap3A_79, %swap3A_80, %swap3A_81] : memref<1x1x2048xi32, #tpu.memory_space<vmem>>, vector<1x1x2048xi32>
    %swap3A_83 = vector.shape_cast %swap3A_82 : vector<1x1x2048xi32> to vector<1x2048xi32>
    %swap3A_84 = vector.shape_cast %convert_element_type3A : vector<1x2048xi32> to vector<1x1x2048xi32>
    tpu.vector_store %arg3[%swap3A_79, %swap3A_80, %swap3A_81], %swap3A_84 {strides = array<i32>} : memref<1x1x2048xi32, #tpu.memory_space<vmem>>, vector<1x1x2048xi32>,
    return
  }
}

</mosaic_0001>

<sc_bundles>
// kernel: kernel.5.cloned.1.call-start
scs
__scs_entry_jumppad:
0x0: {  	(pc) =	sbr.rel $0x88, $3  }
0x1: {  	(tag) =	ssettag $0x0;
	lr =	simm.s32 $0x1  }
0x2: {  	[smem:$0x3F9F] =	sst lr;
	_ =	strace $0xD0000000  }
0x3: {  	_ = 	snop  }
0x4: {  	_ = 	snop  }
0x5: {  	_ = 	snop  }
0x6: {  	_ = 	snop  }
0x7: {  	_ = 	snop  }
__scs_overlays_trampoline_lowered:
0x8: {  	[smem:$0x3FAE] =	sst s0  }
0x9: {  	[smem:$0x3FAF] =	sst s1  }
0xa: {  	[smem:$0x3FB0] =	sst s2  }
0xb: {  	[smem:$0x3FB1] =	sst s3  }
0xc: {  	[smem:$0x3FB2] =	sst s4  }
0xd: {  	[smem:$0x3FB3] =	sst s5  }
0xe: {  	[smem:$0x3FB4] =	sst s6  }
0xf: {  	[smem:$0x3FB5] =	sst s7  }
0x10: {  	[smem:$0x3FB6] =	sst s8  }
0x11: {  	[smem:$0x3FB7] =	sst s9;
	s0 =	simm.s32 @!p0 $0x0  }
0x12: {  	s1 =	sld [smem:$0x3F9D];
	s0 =	simm.s32 @p0 $0x1  }
0x13: {  	[smem:$0x3FB8] =	sst s0;
	s0 =	simm.s32 @!p1 $0x0  }
0x14: {  	s2 =	sld [smem:$0x3F9C];
	s0 =	simm.s32 @p1 $0x1  }
0x15: {  	[smem:$0x3FB9] =	sst s0;
	s0 =	simm.s32 @!p2 $0x0  }
0x16: {  	s3 =	sld [smem:$0x3FDB];
	s0 =	simm.s32 @p2 $0x1  }
0x17: {  	s4 =	simm.s32 $0x1BF5;
	[smem:$0x3FBB] =	sst s0  }
0x18: {  	s0 =	sld [smem:$0x3F9E];
	_ =	swait.ge [sflag:s4], $0x0  }
0x19: {  	s7 =	sld [smem:$0x3F9F]  }
0x1a: {  	s8 =	sadd.s32 $0xFFFFE003, lr  }
0x1b: {  	s9 =	sadd.s32 $0xFFFFFEF7, lr;
	s5 =	simm.s32 $0xFFFFFFFF;
	p2 =	slt.u32 s8, $0xFFFFF086  }
0x1c: {  	p1 =	slt.u32 s9, $0xF7A;
	s5 =	simm.s32 @!p2 $0x0  }
0x1d: {  	s5 =	simm.s32 @p1 $0x1;
	p0 =	seq.s32 s7, s2  }
0x1e: {  	s7 =	smul.u32 @!p0 $0xF7A, s2;
	p2 =	seq.s32 @!p0 s5, $0x0  }
0x1f: {  	s9 =	smul.u32 $0xF7A, s1;
	s8 =	simm.s32 @!p0 $0x1BF5;
	p2 =	por !p2, p0  }
0x20: {  	[sflag:s8] =	ssyncset.s32 @!p0 $0xFFFFF086;
	s6 =	sadd.s32 @!p0 s3, s7;
	s7 =	simm.s32 @!p0 $0x108  }
0x21: {  	s3 =	sadd.s32 s3, s9;
	s6 =	sadd.s32 @!p0 $0x88, s6;
	s7 =	simm.s32 @p2 $0x1082  }
0x22: {  	[simem:s7], [sflag:s8] =	dma.local @!p0 [hbm:s6], $0xF7A  }
0x23: {  	s9 =	sor.u32 $0xD0000000, s2;
	s6 =	simm.s32 $0x108;
	_ =	swait.ge @!p0 [sflag:s8], $0x0  }
0x24: {  	s3 =	sadd.s32 $0x88, s3;
	s6 =	simm.s32 @!p1 $0x1082;
	[sflag:s4] =	ssyncset.s32 $0xFFFFF086  }
0x25: {  	[simem:s6], [sflag:s4] =	dma.local [hbm:s3], $0xF7A  }
0x26: {  	[smem:$0x3F9F] =	sst s1;
	(tag) =	ssettag s2;
	_ =	strace s9  }
0x27: {  	s1 =	sld [smem:$0x3FAF]  }
0x28: {  	s2 =	sld [smem:$0x3FB0]  }
0x29: {  	s4 =	sld [smem:$0x3FB2]  }
0x2a: {  	p0 =	seq.s32 s5, $0x0;
	s5 =	sld [smem:$0x3FB3]  }
0x2b: {  	s6 =	sld [smem:$0x3FB4]  }
0x2c: {  	s7 =	sld [smem:$0x3FB5]  }
0x2d: {  	s3 =	simm.s32 $0x108;
	s8 =	sld [smem:$0x3FB6]  }
0x2e: {  	s3 =	simm.s32 @!p0 $0x1082;
	s9 =	sld [smem:$0x3FB7]  }
0x2f: {  	lr =	sadd.s32 s0, s3;
	s0 =	sld [smem:$0x3FAE]  }
0x30: {  	s3 =	sld [smem:$0x3FB1]  }
0x31: {  	[smem:$0x3FBA] =	sst s10  }
0x32: {  	s10 =	sld [smem:$0x3FB8];
	_ =	sdelay $0x3  }
0x33: {  	p0 =	seq.s32 s10, $0x1;
	s10 =	sld [smem:$0x3FBA];
	_ =	sdelay $0x3  }
0x34: {  	[smem:$0x3FBA] =	sst s10  }
0x35: {  	s10 =	sld [smem:$0x3FB9];
	_ =	sdelay $0x3  }
0x36: {  	p1 =	seq.s32 s10, $0x1;
	s10 =	sld [smem:$0x3FBA];
	_ =	sdelay $0x3  }
0x37: {  	[smem:$0x3FBA] =	sst s10  }
0x38: {  	s10 =	sld [smem:$0x3FBB]  }
0x39: {  	_ = 	snop;
	(pc) =	sbr.ind lr, $3  }
0x3a: {  	_ = 	snop  }
0x3b: {  	_ = 	snop  }
0x3c: {  	p2 =	seq.s32 s10, $0x1;
	s10 =	sld [smem:$0x3FBA]  }
0x3d: {  	_ =	shalt  }
0x3e: {  	_ =	shalt  }
0x3f: {  	_ =	shalt  }
0x40: {  	_ =	shalt  }
0x41: {  	_ =	shalt  }
0x42: {  	_ =	shalt  }
0x43: {  	_ =	shalt  }
0x44: {  	_ =	shalt  }
0x45: {  	_ =	shalt  }
0x46: {  	_ =	shalt  }
0x47: {  	_ =	shalt  }
0x48: {  	_ =	shalt  }
0x49: {  	_ =	shalt  }
0x4a: {  	_ =	shalt  }
0x4b: {  	_ =	shalt  }
0x4c: {  	_ =	shalt  }
0x4d: {  	_ =	shalt  }
0x4e: {  	_ =	shalt  }
0x4f: {  	_ =	shalt  }
0x50: {  	_ =	shalt  }
0x51: {  	_ =	shalt  }
0x52: {  	_ =	shalt  }
0x53: {  	_ =	shalt  }
0x54: {  	_ =	shalt  }
0x55: {  	_ =	shalt  }
0x56: {  	_ =	shalt  }
0x57: {  	_ =	shalt  }
0x58: {  	_ =	shalt  }
0x59: {  	_ =	shalt  }
0x5a: {  	_ =	shalt  }
0x5b: {  	_ =	shalt  }
0x5c: {  	_ =	shalt  }
0x5d: {  	_ =	shalt  }
0x5e: {  	_ =	shalt  }
0x5f: {  	_ =	shalt  }
0x60: {  	_ =	shalt  }
0x61: {  	_ =	shalt  }
0x62: {  	_ =	shalt  }
0x63: {  	_ =	shalt  }
0x64: {  	_ =	shalt  }
0x65: {  	_ =	shalt  }
0x66: {  	_ =	shalt  }
0x67: {  	_ =	shalt  }
0x68: {  	_ =	shalt  }
0x69: {  	_ =	shalt  }
0x6a: {  	_ =	shalt  }
0x6b: {  	_ =	shalt  }
0x6c: {  	_ =	shalt  }
0x6d: {  	_ =	shalt  }
0x6e: {  	_ =	shalt  }
0x6f: {  	_ =	shalt  }
0x70: {  	_ =	shalt  }
0x71: {  	_ =	shalt  }
0x72: {  	_ =	shalt  }
0x73: {  	_ =	shalt  }
0x74: {  	_ =	shalt  }
0x75: {  	_ =	shalt  }
0x76: {  	_ =	shalt  }
0x77: {  	_ =	shalt  }
0x78: {  	_ =	shalt  }
0x79: {  	_ =	shalt  }
0x7a: {  	_ =	shalt  }
0x7b: {  	_ =	shalt  }
0x7c: {  	_ =	shalt  }
0x7d: {  	_ =	shalt  }
0x7e: {  	_ =	shalt  }
0x7f: {  	_ =	shalt  }
0x80: {  	_ =	shalt  }
0x81: {  	_ =	shalt  }
0x82: {  	_ =	shalt  }
0x83: {  	_ =	shalt  }
0x84: {  	_ =	shalt  }
0x85: {  	_ =	shalt  }
0x86: {  	_ =	shalt  }
0x87: {  	_ =	shalt  }
.Lfunc_end0:
.L_simem_size_0:
called_computation_lowered:
.L_overlay_start_0:
0x88: {  	s2 =	sld [smem:$0x3FD9]  }
0x89: {  	s3 =	sld [smem:$0x3FFE];
	_ =	sdelay $0x1  }
0x8a: {  	s1 =	srdreg.scid  }
0x8b: {  	s0 =	sand.u32 $0x1, s1  }
0x8c: {  	s14 =	sshll.u32 s0, $0xA;
	s2 =	sadd.s32 s3, s2  }
0x8d: {  	s2 =	sadd.s32 s2, s14  }
0x8e: {  	[smem:$0x3FC6] =	sst s2  }
0x8f: {  	_ = 	snop  }
0x90: {  	s2 =	sld [smem:$0x3FD0];
	_ =	sdelay $0x2  }
0x91: {  	s15 =	simm.s32 $0xA;
	s4 =	simm.s32 $0x10  }
0x92: {  	[smem:s4], [sflag:s15] =	dma.local [hbm:s2], $0x1  }
0x93: {  	_ =	swait.eq [sflag:s15], $0x1  }
0x94: {  	s16 =	sld [smem:$0x10]  }
0x95: {  	s17 =	sld [smem:$0x11];
	[sflag:s15] =	ssyncset.done $0x0  }
0x96: {  	s5 =	sld [smem:$0x12];
	[sflag:s15] =	ssyncadd.s32 $0xFFFFFFFF  }
0x97: {  	s18 =	sld [smem:$0x13];
	(tm) =	ssettm $0x1  }
0x98: {  	s6 =	sld [smem:$0x3FFB];
	_ =	sdelay $0x3  }
0x99: {  	_ =	strace s6  }
0x9a: {  	s6 =	sld [smem:$0x3FFC];
	_ =	sdelay $0x3  }
0x9b: {  	_ =	strace s6  }
0x9c: {  	s6 =	sld [smem:$0x3FFD];
	_ =	sdelay $0x3  }
0x9d: {  	_ =	strace s6  }
0x9e: {  	_ =	strace $0x8FFFFFFF  }
0x9f: {  	s19 =	sld [smem:$0x3FDB];
	_ =	sdelay $0x1  }
0xa0: {  	s7 =	simm.s32 $_scs_section_size  }
0xa1: {  	s8 =	simm.s32 $_size__tile_overlayer_lowered;
	s9 =	simm.s32 $_tile_overlayer_lowered  }
0xa2: {  	s22 =	simm.s32 $0x1BFF;
	s21 =	sshll.u32 s9, $0x1;
	s6 =	sadd.s32 s7, s19  }
0xa3: {  	s10 =	simm.s32 $0x0;
	s20 =	sshll.u32 s8, $0x1;
	s8 =	sadd.s32 s21, s6  }
0xa4: {  	[timem:s10], [sflag:s22] =	dma.local [hbm:s8], s20  }
0xa5: {  	_ =	swait.ge [sflag:s22], s20  }
0xa6: {  	s7 =	ssub.s32 $0x0, s20;
	[sflag:s22] =	ssyncset.done $0x0  }
0xa7: {  	[sflag:s22] =	ssyncadd.s32 s7;
	_ =	sdelay $0x1  }
0xa8: {  	s23 =	simm.s32 $0x1B8B  }
0xa9: {  	_ =	swait.ge [sflag:s23], $0x1  }
0xaa: {  	[sflag:s23] =	ssyncset.done $0x0  }
0xab: {  	s25 =	simm.s32 $0x1B8E;
	s24 =	sld [smem:$0x3FFE];
	[sflag:s23] =	ssyncadd.s32 $0xFFFFFFFF  }
0xac: {  	s26 =	simm.s32 $execute0_lowered;
	[smem:$0x3FD2] =	sst s25  }
0xad: {  	s8 =	sshll.u32 s26, $0x1;
	_ =	strace $0x80000046;
	[dreg:$0x1] =	wrdreg $0xFFFFFFFF  }
0xae: {  	s28 =	simm.s32 $_size_execute0_lowered;
	s6 =	sadd.s32 s6, s8;
	[dreg:$0x0] =	wrdreg $0x0  }
0xaf: {  	s8 =	sshll.u32 s28, $0x1;
	[dreg:$0x2] =	wrdreg s6  }
0xb0: {  	[dreg:$0x3] =	wrdreg s8  }
0xb1: {  	[dreg:$0x4] =	wrdreg $0xC0  }
0xb2: {  	_ =	task [dreg:s10], $0x5FFFF  }
0xb3: {  	[dreg:$0x1] =	wrdreg $0xFFFFFFFF  }
0xb4: {  	[dreg:$0x0] =	wrdreg $0x60  }
0xb5: {  	[dreg:$0x2] =	wrdreg s5  }
0xb6: {  	[dreg:$0x3] =	wrdreg s16  }
0xb7: {  	[dreg:$0x4] =	wrdreg s18  }
0xb8: {  	[dreg:$0x5] =	wrdreg s17  }
0xb9: {  	[dreg:$0x6] =	wrdreg s24  }
0xba: {  	[dreg:$0x7] =	wrdreg $0x9  }
0xbb: {  	_ =	task.clear_ibuf [dreg:s10], $0x8FFFF;
	_ =	strace $0x90000046  }
0xbc: {  	s29 =	simm.s32 $0x9;
	_ =	strace $0x80000048  }
0xbd: {  	_ =	swait.ge [sflag:s29], $0x1  }
0xbe: {  	[sflag:s29] =	ssyncadd.s32 $0xFFFFFFFF  }
0xbf: {  	_ =	strace $0x90000048  }
0xc0: {  	_ =	sfence  }
0xc1: {  	s30 =	sld [smem:$0x0];
	_ =	sdelay $0x2  }
0xc2: {  	s31 =	sshll.u32 s1, $0xD;
	s1 =	sshrl.u32 s1, $0x2  }
0xc3: {  	s3 =	sand.u32 $0x4000, s31;
	s1 =	sadd.s32 s1, s30  }
0xc4: {  	s0 =	sor.u32 s3, s0;
	s1 =	sshll.u32 s1, $0x11  }
0xc5: {  	s0 =	sor.u32 s1, s0  }
0xc6: {  	s0 =	sadd.s32 $0x8F2B, s0  }
0xc7: {  	[sflag:s0] =	ssyncadd.remote.s32 $0x1  }
0xc8: {  	_ =	sfence.sel $0xFFFF  }
0xc9: {  	[dreg:$0x0] =	wrdreg $0xFFFFFFFF;
	(pc) =	sbr.abs _section_cstart, $3  }
0xca: {  	[dreg:$0x1] =	wrdreg $0xFFFFFFFF  }
0xcb: {  	_ =	task.clear_ibuf [dreg:s10], $0x2FFFF;
	_ =	strace $0x9FFFFFFF  }
0xcc: {  	(tm) =	ssettm $0x7FFFFFFF  }
0xcd: {  	_ =	shalt  }
tec
execute0_lowered:
.L_overlay_start_1:
0x0: {  	(tag) =	ssettag $0x1  }
0x1: {  	v0 =	vimm.f32 $1.500000000e+01;
	vm0 =	vcmask $0x300  }
0x2: {  	vm14 =	vcmask $0x704;
	v0 =	vsel vm0, $0x0, v0  }
0x3: {  	vm15 =	vcmask $0xB08;
	v0 =	vsel vm14, $0x3F800000, v0  }
0x4: {  	s0 =	rddreg [dreg:$0x4];
	vm4 =	vcmask $0xF0C;
	v0 =	vsel vm15, $0x40000000, v0  }
0x5: {  	s1 =	srdreg.scid;
	s6 =	simm.s32 $0x0;
	s2 =	stileid.u32;
	vm5 =	vcmask $0x1310;
	v0 =	vsel vm4, $0x40400000, v0  }
0x6: {  	vm6 =	vcmask $0x1714;
	s15 =	simm.s32 $0x1;
	s16 =	simm.s32 $0x2000;
	s17 =	simm.s32 $0x2800;
	v0 =	vsel vm5, $0x40800000, v0  }
0x7: {  	vm7 =	vcmask $0x1B18;
	s18 =	simm.s32 $0x4800;
	s19 =	simm.s32 $0x6000;
	s20 =	simm.s32 $0x6080;
	v0 =	vsel vm6, $0x40A00000, v0  }
0x8: {  	vm8 =	vcmask $0x1F1C;
	s21 =	simm.s32 $0x80;
	s22 =	simm.s32 $0x400;
	s23 =	simm.s32 $0x5000;
	v0 =	vsel vm7, $0x40C00000, v0  }
0x9: {  	vm9 =	vcmask $0x2320;
	s24 =	simm.s32 $0x5800;
	s25 =	simm.s32 $0x0;
	s1 =	sand.u32 $0x1, s1;
	v0 =	vsel vm8, $0x40E00000, v0  }
0xa: {  	vm10 =	vcmask $0x2724;
	[smem:$0x7FF] =	sst s6;
	s8 =	sshll.u32 s2, $0x4;
	s4 =	sshll.u32 s1, $0x4;
	v0 =	vsel vm9, $0x41000000, v0  }
0xb: {  	vm11 =	vcmask $0x2B28;
	s7 =	sadd.s32 $0x1000, s0;
	s1 =	ssub.s32 $0x2, s1;
	s4 =	sor.u32 s2, s4;
	v0 =	vsel vm10, $0x41100000, v0  }
0xc: {  	vm12 =	vcmask $0x2F2C;
	_ =	strace $0x80000047;
	s9 =	sshrl.u32 s1, $0x1;
	s5 =	sshll.u32 s4, $0x8;
	v0 =	vsel vm11, $0x41200000, v0  }
0xd: {  	vm13 =	vcmask $0x3330;
	s31 =	sshll.u32 s4, $0x3;
	s1 =	ssub.s32 s1, s9;
	s5 =	sor.u32 s8, s5;
	v0 =	vsel vm12, $0x41300000, v0  }
0xe: {  	vm14 =	vcmask $0x3734;
	s10 =	sadd.s32 s31, s0;
	s8 =	sshll.u32 s4, $0x6;
	s5 =	sand.u32 $0x1870, s5;
	v0 =	vsel vm13, $0x41400000, v0  }
0xf: {  	vm15 =	vcmask $0x3B38;
	s13 =	smax.u32 s1, $0x1;
	s9 =	sadd.s32 $0x5400, s10;
	s0 =	sadd.s32 s5, s0;
	v1 =	vsel vm14, $0x41500000, v0  }
0x10: {  	v2 =	vlaneseq.u32;
	s10 =	sadd.s32 $0x1200, s10;
	s11 =	sadd.s32 $0x1400, s0;
	s12 =	sadd.s32 $0x3400, s0;
	v0 =	vimm.f32 $0.0e+00;
	v1 =	vsel vm15, $0x41600000, v1  }
.LBB2_1:
0x11: {  	s0 =	simm.s32 $0x6100  }
0x12: {  	[tilespmem:s0], [sflag:$0x1] =	stream.linear.gather [hbm4b:s7+s6], $0x1, $0x38;
	[tilespmem:$0x6180] =	vst v63  }
0x13: {  	_ =	swait.ge [sflag:s15], $0x1  }
0x14: {  	[sflag:s15] =	ssyncset.done $0x0  }
0x15: {  	[sflag:s15] =	ssyncadd.s32 $0xFFFFFFFF  }
0x16: {  	s28 =	rddreg [dreg:$0x0]  }
0x17: {  	v3 =	vld.msk [tilespmem:$0x6100 ss:$0x0], $0xffff;
	[tilespmem:s6], [sflag:$0x1] =	stream.linear.gather [hbm4b:s28+s6], $0x2000, $0x38  }
0x18: {  	_ =	swait.ge [sflag:s15], $0x2000  }
0x19: {  	[sflag:s15] =	ssyncset.done $0x0  }
0x1a: {  	[sflag:s15] =	ssyncadd.s32 $0xFFFFE000  }
0x1b: {  	s29 =	rddreg [dreg:$0x1]  }
0x1c: {  	[tilespmem:s16], [sflag:$0x1] =	stream.linear.gather [hbm4b:s29+s6], $0x800, $0x38;
	[tilespmem:$0x6180] =	vst v63  }
0x1d: {  	_ =	swait.ge [sflag:s15], $0x800  }
0x1e: {  	[sflag:s15] =	ssyncset.done $0x0  }
0x1f: {  	[sflag:s15] =	ssyncadd.s32 $0xFFFFF800  }
0x20: {  	s30 =	rddreg [dreg:$0x2]  }
0x21: {  	[tilespmem:s17], [sflag:$0x1] =	stream.linear.gather [hbm4b:s30+s6], $0x2000, $0x38;
	[tilespmem:$0x6180] =	vst v63  }
0x22: {  	_ =	swait.ge [sflag:s15], $0x2000  }
0x23: {  	[sflag:s15] =	ssyncset.done $0x0  }
0x24: {  	[sflag:s15] =	ssyncadd.s32 $0xFFFFE000  }
0x25: {  	s31 =	rddreg [dreg:$0x3]  }
0x26: {  	[tilespmem:s18], [sflag:$0x1] =	stream.linear.gather [hbm4b:s31+s6], $0x800, $0x38;
	[tilespmem:$0x6180] =	vst v63  }
0x27: {  	_ =	swait.ge [sflag:s15], $0x800  }
0x28: {  	[sflag:s15] =	ssyncset.done $0x0  }
0x29: {  	s1 =	simm.s32 $0x0;
	s0 =	simm.s32 $0x40;
	[sflag:s15] =	ssyncadd.s32 $0xFFFFF800  }
.LBB2_2:
0x2a: {  	p0 =	sne.s32 s0, $0x1FC0;
	[tilespmem:s1+$0x5000] =	vst v3;
	s4 =	smov.u32 s0;
	s0 =	sadd.s32 $0x40, s0  }
.Ltmp0:
0x2b: {  	[tilespmem:s1+$0x5800] =	vst v0;
	(pc) =	sbr.rel @p0 .LBB2_2-.Ltmp0, $2  }
0x2c: {  	_ =	sdelay $0x2  }
0x2d: {  	s1 =	sshra.s32 s4, $0x2  }
0x2e: {  	[tilespmem:s1+$0x5000] =	vst v3  }
0x2f: {  	s26 =	simm.s32 $0x0;
	[tilespmem:s1+$0x5800] =	vst v0  }
.LBB2_4:
0x30: {  	s28 =	sshll.u32 s26, $0x4  }
0x31: {  	v4 =	vmov v3;
	v5 =	vmov v3;
	s30 =	simm.s32 $0x0;
	s29 =	sadd.s32 s8, s28  }
.LBB2_5:
0x32: {  	s0 =	sadd.s32 s29, s30  }
0x33: {  	v6 =	vmov s0  }
0x34: {  	v7 =	vshll.u32 v6, $0x2  }
0x35: {  	v8 =	vand.u32 $0x7F, v6;
	v7 =	vand.u32 $0xFFFFFE00, v7  }
0x36: {  	v7 =	vor.u32 v8, v7  }
0x37: {  	v9 =	vor.u32 $0x80, v7  }
0x38: {  	v10 =	vor.u32 $0x100, v7;
	_ =	sdelay $0x1  }
0x39: {  	s31 =	simm.s32 $0x0;
	v11 =	vld.idx.msk [tilespmem:v6+s16+$0x0], $0xffff  }
0x3a: {  	v8 =	vld.idx.msk [tilespmem:v7+s31+$0x0], $0xffff  }
0x3b: {  	s5 =	simm.s32 $0x1;
	s14 =	sand.u32 $0x70, s31;
	s1 =	sand.u32 $0x1E00, s31;
	v9 =	vld.idx.msk [tilespmem:v9+s31+$0x0], $0xffff  }
0x3c: {  	v12 =	vmov v3;
	s4 =	simm.s32 $0x0;
	s0 =	simm.s32 $0x0;
	s1 =	sor.u32 s14, s1;
	v6 =	vcvt.s32.f32 v6;
	v7 =	vimm.f32 $0.0e+00;
	v10 =	vld.idx.msk [tilespmem:v10+s31+$0x0], $0xffff  }
.LBB2_6:
0x3d: {  	p0 =	sne.s32 s5, $0x7F;
	v13 =	vld [tilespmem:s1+$0x2800]  }
0x3e: {  	v14 =	vld [tilespmem:s1+$0x2880]  }
0x3f: {  	v15 =	vld [tilespmem:s1+$0x2900];
	_ =	sdelay $0x1  }
0x40: {  	s2 =	sshra.s32 s31, $0x2  }
0x41: {  	v16 =	vld [tilespmem:s2+$0x4800]  }
0x42: {  	v13 =	vmul.f32 v13, v8;
	v14 =	vmul.f32 v14, v9;
	_ =	sdelay $0x1  }
0x43: {  	v13 =	vadd.f32 v14, v13;
	v14 =	vmul.f32 v15, v10  }
0x44: {  	v15 =	vld [tilespmem:s2+$0x5000]  }
0x45: {  	v13 =	vadd.f32 v14, v13;
	v14 =	vadd.f32 v16, v11;
	v16 =	vld [tilespmem:s2+$0x5800];
	_ =	sdelay $0x1  }
0x46: {  	v13 =	vadd.f32 v13, v14  }
.Ltmp1:
0x47: {  	(pc) =	sbr.rel @p0 .LBB2_6-.Ltmp1, $4  }
0x48: {  	s1 =	scvt.s32.f32 s4;
	s4 =	smov.u32 s5;
	vm0 =	vlt.f32 v13, v12;
	vm1 =	vlt.f32 v13, v15  }
0x49: {  	s31 =	sadd.s32 $0x40, s31;
	s0 =	sadd.s32 $0x10, s0;
	v12 =	vsel vm0, v13, v12;
	v13 =	vsel vm1, v13, v15;
	v14 =	vsel vm1, v6, v16  }
0x4a: {  	s3 =	sand.u32 $0x70, s0;
	s14 =	sand.u32 $0x1E00, s31;
	v7 =	vsel vm0, s1, v7;
	[tilespmem:s2+$0x5800] =	vst v14  }
0x4b: {  	s5 =	sadd.s32 $0x1, s5;
	s1 =	sor.u32 s3, s14;
	[tilespmem:s2+$0x5000] =	vst v13  }
0x4c: {  	v13 =	vld [tilespmem:s1+$0x2800]  }
0x4d: {  	v14 =	vld [tilespmem:s1+$0x2880];
	_ =	sdelay $0x1  }
0x4e: {  	v15 =	vld [tilespmem:s1+$0x2900]  }
0x4f: {  	s0 =	sshra.s32 s31, $0x2  }
0x50: {  	v16 =	vld [tilespmem:s0+$0x4800]  }
0x51: {  	v8 =	vmul.f32 v13, v8;
	v9 =	vmul.f32 v14, v9;
	_ =	sdelay $0x1  }
0x52: {  	v57 =	vmul.f32 v15, v10;
	v8 =	vadd.f32 v9, v8;
	_ =	sdelay $0x1  }
0x53: {  	v58 =	vadd.f32 v16, v11;
	v8 =	vadd.f32 v57, v8;
	_ =	sdelay $0x1  }
0x54: {  	v8 =	vadd.f32 v8, v58;
	_ =	sdelay $0x1  }
0x55: {  	vm0 =	vlt.f32 v8, v12  }
0x56: {  	v9 =	vsel vm0, v8, v12  }
0x57: {  	(xrf0) =	vmin.scan.msk.f32 $0xffff, v9;
	_ =	sdelay $0x2  }
0x58: {  	s31 =	scvt.s32.f32 s4;
	_ =	sdelay $0x1  }
0x59: {  	v7 =	vsel vm0, s31, v7  }
0x5a: {  	v7 =	vmul.f32 $1.600000000e+01, v7;
	v59, _, _ =	vpop (xrf0)  }
0x5b: {  	v10 =	vbroadcast v59, $0xF  }
0x5c: {  	v7 =	vadd.f32 v1, v7  }
0x5d: {  	vm13 =	veq.f32 v9, v10  }
0x5e: {  	v7 =	vsel vm13, v7, v3  }
0x5f: {  	(xrf0) =	vmin.scan.msk.f32 $0xffff, v7  }
0x60: {  	v7 =	vld [tilespmem:s0+$0x5000]  }
0x61: {  	v60 =	vld [tilespmem:s0+$0x5800]  }
0x62: {  	v62 =	vmov s30;
	s30 =	sadd.s32 $0x1, s30  }
0x63: {  	p0 =	sne.s32 s30, $0x10  }
.Ltmp2:
0x64: {  	_ = 	snop;
	(pc) =	sbr.rel @p0 .LBB2_5-.Ltmp2, $4  }
0x65: {  	vm14 =	vlt.f32 v8, v7;
	v61, _, _ =	vpop (xrf0)  }
0x66: {  	v6 =	vsel vm14, v6, v60;
	v63 =	vbroadcast v61, $0xF  }
0x67: {  	vm15 =	veq.s32 v62, v2;
	v7 =	vsel vm14, v8, v7;
	[tilespmem:s0+$0x5800] =	vst v6  }
0x68: {  	v5 =	vsel vm15, v10, v5;
	[tilespmem:s0+$0x5000] =	vst v7;
	v4 =	vsel vm15, v63, v4  }
0x69: {  	s26 =	sadd.s32 $0x1, s26  }
0x6a: {  	p0 =	sne.s32 s26, $0x4  }
.Ltmp3:
0x6b: {  	_ = 	snop;
	(pc) =	sbr.rel @p0 .LBB2_4-.Ltmp3, $3  }
0x6c: {  	_ =	sdelay $0x1  }
0x6d: {  	[tilespmem:s28+$0x6000] =	vst v5  }
0x6e: {  	[tilespmem:s28+$0x6080] =	vst v4  }
0x6f: {  	[hbm4b:s9+s6] =	stream.linear.scatter [tilespmem:s19], [sflag:$0x1], $0x40, $0x38;
	[tilespmem:$0x6180] =	vst v63  }
0x70: {  	_ =	swait.ge [sflag:s15], $0x40  }
0x71: {  	[sflag:s15] =	ssyncset.done $0x0  }
0x72: {  	[sflag:s15] =	ssyncadd.s32 $0xFFFFFFC0  }
0x73: {  	[hbm4b:s10+s6] =	stream.linear.scatter [tilespmem:s20], [sflag:$0x1], $0x40, $0x38;
	[tilespmem:$0x6180] =	vst v63  }
0x74: {  	_ =	swait.ge [sflag:s15], $0x40  }
0x75: {  	[sflag:s15] =	ssyncset.done $0x0  }
0x76: {  	[sflag:s15] =	ssyncadd.s32 $0xFFFFFFC0  }
0x77: {  	[hbm4b:s11+s21] =	stream.strided.scatter [tilespmem:s23], [sflag:$0x1], $0x800, s22, s21, $0x38;
	[tilespmem:$0x6180] =	vst v63  }
0x78: {  	s25 =	sadd.s32 $0x1, s25;
	_ =	swait.ge [sflag:s15], $0x800  }
0x79: {  	p0 =	sne.s32 s25, s13;
	[sflag:s15] =	ssyncset.done $0x0  }
.Ltmp4:
0x7a: {  	[sflag:s15] =	ssyncadd.s32 $0xFFFFF800;
	(pc) =	sbr.rel @p0 .LBB2_1-.Ltmp4, $4  }
0x7b: {  	[hbm4b:s12+s21] =	stream.strided.scatter [tilespmem:s24], [sflag:$0x1], $0x800, s22, s21, $0x38;
	[tilespmem:$0x6180] =	vst v63  }
0x7c: {  	_ =	swait.ge [sflag:s15], $0x800  }
0x7d: {  	[sflag:s15] =	ssyncset.done $0x0  }
0x7e: {  	[sflag:s15] =	ssyncadd.s32 $0xFFFFF800  }
0x7f: {  	_ =	sfence.sel $0x180000  }
0x80: {  	[bflag:$0x0] =	sbarrier.arrive $0xFFFF  }
0x81: {  	_ =	strace $0x90000047  }
0x82: {  	s0 =	stileid.u32;
	[bflag:$0x2] =	sbarrier.arrive $0xFFFF  }
0x83: {  	p0 =	sne.s32 s0, $0x0;
	s0 =	rddreg [dreg:$0x5]  }
0x84: {  	s0 =	sadd.s32 @!p0 $0x100000, s0  }
0x85: {  	[sflag:s0] =	ssyncadd.tile.s32 @!p0 $0x1;
	_ =	shalt  }
.Lfunc_end2:
_tile_overlayer_lowered:
.L_overlay_start_2:
0x86: {  	(tag) =	ssettag $0x2  }
0x87: {  	s0 =	rddreg [dreg:$0x0];
	s2 =	stileid.u32  }
0x88: {  	s1 =	rddreg [dreg:$0x1];
	p0 =	sne.s32 s2, $0x0  }
0x89: {  	s3 =	rddreg [dreg:$0x2];
	[bflag:$0x3] =	sbarrier.arrive $0xFFFF;
	s2 =	simm.s32 @!p0 $0x1C01  }
0x8a: {  	[timem:s3], [sflag:s2] =	dma.local @!p0 [hbm:s0], s1  }
0x8b: {  	s0 =	simm.s32 @!p0 $0x1  }
0x8c: {  	_ =	swait.ge @!p0 [sflag:s0], s1  }
0x8d: {  	s1 =	ssub.s32 @!p0 $0x0, s1;
	[sflag:s0] =	ssyncset.done @!p0 $0x0  }
0x8e: {  	[sflag:s0] =	ssyncadd.s32 @!p0 s1  }
0x8f: {  	[bflag:$0x3] =	sbarrier.arrive $0xFFFF  }
0x90: {  	_ =	shalt  }

</sc_bundles>
